<compile_context>
chip_gen: v7x
topology: tpu7x:2x2x1
jax: 0.10.2.dev20260603
libtpu: 0.0.44.dev20260713+nightly
codegen_flags: <defaults>
</compile_context>

<pallas_src>
import functools

import jax
import jax.numpy as jnp
from jax import lax
from jax.experimental import pallas as pl
from jax.experimental.pallas import tpu as pltpu
from jax.experimental.pallas import tpu_sc as plsc

N = 10000
F = 128
NCLASS = 40
E = 320000

NC = 2
NS = 16
NW = NC * NS

CHUNK = 128
EPW = 10240
PE = EPW * NW
PAIRS = EPW // (2 * CHUNK)

ROWS_PER_TILE = 632
NPAD = ROWS_PER_TILE * NS



_sc_mesh = plsc.VectorSubcoreMesh(core_axis_name="c", subcore_axis_name="s")


@functools.partial(
    pl.kernel,
    out_type=jax.ShapeDtypeStruct((NC * NPAD, F), jnp.float32),
    mesh=_sc_mesh,
    scratch_types=[
        pltpu.VMEM((CHUNK,), jnp.int32),
        pltpu.VMEM((CHUNK,), jnp.int32),
        pltpu.VMEM((CHUNK,), jnp.int32),
        pltpu.VMEM((CHUNK,), jnp.int32),
        pltpu.VMEM((CHUNK, F), jnp.float32),
        pltpu.VMEM((CHUNK, F), jnp.float32),
        pltpu.VMEM_SHARED((NPAD, F), jnp.float32),
        pltpu.SemaphoreType.DMA,
        pltpu.SemaphoreType.DMA,
        pltpu.SemaphoreType.DMA,
        pltpu.SemaphoreType.DMA,
        pltpu.SemaphoreType.DMA,
    ],
)
def _sc_aggregate(hw_hbm, src_hbm, dst_hbm, zeros_hbm, out_hbm,
                  s0, d0, s1, d1, rows0, rows1, acc_sh,
                  semi0, semi1, semg, sems0, sems1):
    c = lax.axis_index("c")
    s = lax.axis_index("s")
    pltpu.sync_copy(zeros_hbm.at[pl.ds(s * ROWS_PER_TILE, ROWS_PER_TILE)],
                    acc_sh.at[pl.ds(s * ROWS_PER_TILE, ROWS_PER_TILE)])
    plsc.subcore_barrier()

    wid = s * NC + c
    ebase = wid * EPW

    def iload(j, sref, dref, sem):
        pltpu.async_copy(src_hbm.at[pl.ds(ebase + j * CHUNK, CHUNK)], sref, sem)
        pltpu.async_copy(dst_hbm.at[pl.ds(ebase + j * CHUNK, CHUNK)], dref, sem)

    def iwait(j, sref, dref, sem):
        pltpu.make_async_copy(src_hbm.at[pl.ds(ebase + j * CHUNK, CHUNK)],
                              sref, sem).wait()
        pltpu.make_async_copy(dst_hbm.at[pl.ds(ebase + j * CHUNK, CHUNK)],
                              dref, sem).wait()

    def wait_scatter(rows, dref, sem):
        pltpu.make_async_copy(rows, acc_sh.at[dref], sem).wait()

    def body(i, carry):
        a = 2 * i
        b = a + 1

        @pl.when(i > 0)
        def _():
            wait_scatter(rows1, d1, sems1)
        iload(b, s1, d1, semi1)
        iwait(a, s0, d0, semi0)
        pltpu.async_copy(hw_hbm.at[s0], rows0, semg).wait()
        pltpu.async_copy(rows0, acc_sh.at[d0], sems0, add=True)
        iwait(b, s1, d1, semi1)
        pltpu.async_copy(hw_hbm.at[s1], rows1, semg).wait()
        wait_scatter(rows0, d0, sems0)

        @pl.when(i + 1 < PAIRS)
        def _():
            iload(a + 2, s0, d0, semi0)
        pltpu.async_copy(rows1, acc_sh.at[d1], sems1, add=True)
        return carry

    iload(0, s0, d0, semi0)
    lax.fori_loop(0, PAIRS, body, 0)
    wait_scatter(rows1, d1, sems1)
    plsc.subcore_barrier()
    pltpu.sync_copy(acc_sh.at[pl.ds(s * ROWS_PER_TILE, ROWS_PER_TILE)],
                    out_hbm.at[pl.ds(c * NPAD + s * ROWS_PER_TILE, ROWS_PER_TILE)])



_GRID = 4
_BLK = NPAD // _GRID


def _mm_body(x_ref, w_ref, o_ref):
    o_ref[...] = jnp.dot(x_ref[...], w_ref[...],
                         preferred_element_type=jnp.float32,
                         precision=lax.Precision.HIGHEST)


def _tc_matmul(x, w):
    return pl.pallas_call(
        _mm_body,
        grid=(_GRID,),
        in_specs=[pl.BlockSpec((_BLK, F), lambda i: (i, 0)),
                  pl.BlockSpec((F, F), lambda i: (0, 0))],
        out_specs=pl.BlockSpec((_BLK, F), lambda i: (i, 0)),
        out_shape=jax.ShapeDtypeStruct((NPAD, F), jnp.float32),
    )(x, w)


def _post_agg(a0, a1, b):
    acc = a0 + a1 + b
    n = jnp.sqrt(jnp.sum(acc * acc, axis=-1, keepdims=True))
    return jnp.maximum(acc / jnp.maximum(n, 1e-12), 0.0)


def _layer_body(a0_ref, a1_ref, b_ref, w_ref, o_ref):
    t = _post_agg(a0_ref[...], a1_ref[...], b_ref[...])
    o_ref[...] = jnp.dot(t, w_ref[...], preferred_element_type=jnp.float32,
                         precision=lax.Precision.HIGHEST)


def _tc_layer(agg2, b, w):
    return pl.pallas_call(
        _layer_body,
        grid=(_GRID,),
        in_specs=[pl.BlockSpec((_BLK, F), lambda i: (i, 0)),
                  pl.BlockSpec((_BLK, F), lambda i: (i + _GRID, 0)),
                  pl.BlockSpec((1, F), lambda i: (0, 0)),
                  pl.BlockSpec((F, F), lambda i: (0, 0))],
        out_specs=pl.BlockSpec((_BLK, F), lambda i: (i, 0)),
        out_shape=jax.ShapeDtypeStruct((NPAD, F), jnp.float32),
    )(agg2, agg2, b, w)


def _final_body(a0_ref, a1_ref, b_ref, wl_ref, bl_ref,
                x4_ref, logits_ref, probs_ref):
    x4 = _post_agg(a0_ref[...], a1_ref[...], b_ref[...])
    x4_ref[...] = x4
    logits = jnp.dot(x4, wl_ref[...], preferred_element_type=jnp.float32,
                     precision=lax.Precision.HIGHEST) + bl_ref[...]
    logits_ref[...] = logits
    m = jnp.max(logits, axis=-1, keepdims=True)
    e = jnp.exp(logits - m)
    probs_ref[...] = e / jnp.sum(e, axis=-1, keepdims=True)


def _tc_final(agg2, b, wl, bl):
    return pl.pallas_call(
        _final_body,
        grid=(_GRID,),
        in_specs=[pl.BlockSpec((_BLK, F), lambda i: (i, 0)),
                  pl.BlockSpec((_BLK, F), lambda i: (i + _GRID, 0)),
                  pl.BlockSpec((1, F), lambda i: (0, 0)),
                  pl.BlockSpec((F, NCLASS), lambda i: (0, 0)),
                  pl.BlockSpec((1, NCLASS), lambda i: (0, 0))],
        out_specs=[pl.BlockSpec((_BLK, F), lambda i: (i, 0)),
                   pl.BlockSpec((_BLK, NCLASS), lambda i: (i, 0)),
                   pl.BlockSpec((_BLK, NCLASS), lambda i: (i, 0))],
        out_shape=[jax.ShapeDtypeStruct((NPAD, F), jnp.float32),
                   jax.ShapeDtypeStruct((NPAD, NCLASS), jnp.float32),
                   jax.ShapeDtypeStruct((NPAD, NCLASS), jnp.float32)],
    )(agg2, agg2, b, wl, bl)



def kernel(x, edge_index, edge_weight, W1, b1, W2, b2, W3, b3, W4, b4, Wl, bl):
    del edge_weight
    src = edge_index[0]
    dst = edge_index[1]
    src_p = jnp.concatenate([src, jnp.zeros((PE - E,), jnp.int32)])
    dst_p = jnp.concatenate([dst, jnp.full((PE - E,), N, jnp.int32)])
    zeros = jnp.zeros((NPAD, F), jnp.float32)
    xp = jnp.concatenate([x, jnp.zeros((NPAD - N, F), jnp.float32)])

    b1r, b2r, b3r, b4r = (b.reshape(1, F) for b in (b1, b2, b3, b4))
    blr = bl.reshape(1, NCLASS)

    hw = _tc_matmul(xp, W1)
    agg = _sc_aggregate(hw, src_p, dst_p, zeros)
    hw = _tc_layer(agg, b1r, W2)
    agg = _sc_aggregate(hw, src_p, dst_p, zeros)
    hw = _tc_layer(agg, b2r, W3)
    agg = _sc_aggregate(hw, src_p, dst_p, zeros)
    hw = _tc_layer(agg, b3r, W4)
    agg = _sc_aggregate(hw, src_p, dst_p, zeros)
    x4, logits, probs = _tc_final(agg, b4r, Wl, blr)

    return (logits[:N], probs[:N], x4[:N])

# --- scband reference (transcript-rebuilt; emitter-appended) ---
"""Pipeline reference for scband-gcn-31413390803462 (READ-ONLY COPY).

The authoritative reference and input builder live on the scoring server;
editing this copy changes nothing except your own understanding.
"""

import jax, jax.numpy as jnp
import numpy as np

N = 10000
E = 320000
NFEAT = 128
NHID = 128
NCLASS = 40


def _l2normalize(x, eps=1e-12):
    n = jnp.sqrt(jnp.sum(x * x, axis=-1, keepdims=True))
    return x / jnp.maximum(n, eps)


def setup_inputs(seed: int = 0):
    key = jax.random.key(seed)
    ks = [jax.random.fold_in(key, i) for i in range(20)]
    x = jax.random.normal(ks[0], (N, NFEAT), dtype=jnp.float32)
    edge_index = jax.random.randint(ks[1], (2, E), 0, N, dtype=jnp.int32)
    edge_weight = jax.random.uniform(ks[2], (E,), dtype=jnp.float32)
    s1 = 1.0 / np.sqrt(NFEAT)
    s2 = 1.0 / np.sqrt(NHID)
    W1 = jax.random.normal(ks[3], (NFEAT, NHID), dtype=jnp.float32) * s1
    b1 = jnp.zeros((NHID,), dtype=jnp.float32)
    W2 = jax.random.normal(ks[4], (NHID, NHID), dtype=jnp.float32) * s2
    b2 = jnp.zeros((NHID,), dtype=jnp.float32)
    W3 = jax.random.normal(ks[5], (NHID, NHID), dtype=jnp.float32) * s2
    b3 = jnp.zeros((NHID,), dtype=jnp.float32)
    W4 = jax.random.normal(ks[6], (NHID, NHID), dtype=jnp.float32) * s2
    b4 = jnp.zeros((NHID,), dtype=jnp.float32)
    Wl = jax.random.normal(ks[7], (NHID, NCLASS), dtype=jnp.float32) * s2
    bl = jnp.zeros((NCLASS,), dtype=jnp.float32)
    return {"x": x, "edge_index": edge_index, "edge_weight": edge_weight,
            "W1": W1, "b1": b1, "W2": W2, "b2": b2,
            "W3": W3, "b3": b3, "W4": W4, "b4": b4,
            "Wl": Wl, "bl": bl}


def reference(x, edge_index, edge_weight, W1, b1, W2, b2, W3, b3, W4, b4, Wl, bl):
    # GCNConv(normalize=False): linear transform, gather at src,
    # scatter-add (segment_sum) at dst, then add bias. edge_weight is
    # unpacked by the original forward but never passed to the convs.
    src = edge_index[0]
    dst = edge_index[1]

    def conv(h, W, b):
        m = (h @ W)[src]
        agg = jax.ops.segment_sum(m, dst, num_segments=N)
        return agg + b

    x1 = jax.nn.relu(_l2normalize(conv(x, W1, b1)))
    x2 = jax.nn.relu(_l2normalize(conv(x1, W2, b2)))
    x3 = jax.nn.relu(_l2normalize(conv(x2, W3, b3)))
    x4 = jax.nn.relu(_l2normalize(conv(x3, W4, b4)))
    logits = x4 @ Wl + bl
    probs = jax.nn.softmax(logits, axis=-1)
    return (logits, probs, x4)

if __name__ == "__main__":
    import jax
    _d = setup_inputs()
    print(jax.jit(kernel)(*tuple(_d.values())))

</pallas_src>

<mosaic_0001>
#map = affine_map<(d0, d1) -> (0, 0)>
#map1 = affine_map<(d0, d1) -> (0)>
module attributes {stable_mosaic.version = 14 : i64} {
  func.func @_sc_aggregate(%arg0: i32, %arg1: i32, %arg2: memref<10112x128xf32, #tpu.memory_space<hbm>>, %arg3: memref<327680xi32, #tpu.memory_space<hbm>>, %arg4: memref<327680xi32, #tpu.memory_space<hbm>>, %arg5: memref<10112x128xf32, #tpu.memory_space<hbm>>, %arg6: memref<20224x128xf32, #tpu.memory_space<hbm>>, %arg7: memref<128xi32, #tpu.memory_space<vmem>>, %arg8: memref<128xi32, #tpu.memory_space<vmem>>, %arg9: memref<128xi32, #tpu.memory_space<vmem>>, %arg10: memref<128xi32, #tpu.memory_space<vmem>>, %arg11: memref<128x128xf32, #tpu.memory_space<vmem>>, %arg12: memref<128x128xf32, #tpu.memory_space<vmem>>, %arg13: memref<10112x128xf32, #tpu.memory_space<vmem_shared>>, %arg14: memref<!tpu.dma_semaphore, #tpu.memory_space<semaphore_mem>>, %arg15: memref<!tpu.dma_semaphore, #tpu.memory_space<semaphore_mem>>, %arg16: memref<!tpu.dma_semaphore, #tpu.memory_space<semaphore_mem>>, %arg17: memref<!tpu.dma_semaphore, #tpu.memory_space<semaphore_mem>>, %arg18: memref<!tpu.dma_semaphore, #tpu.memory_space<semaphore_mem>>) attributes {dimension_semantics = [#tpu.dimension_semantics<core_parallel>, #tpu.dimension_semantics<subcore_parallel>], iteration_bounds = array<i64: 2, 16>, scalar_prefetch = 0 : i64, scratch_operands = 12 : i64, tpu.core_type = #tpu.core_type<sc_vector_subcore>, window_params = [{transform_indices = #map}, {transform_indices = #map1}, {transform_indices = #map1}, {transform_indices = #map}, {transform_indices = #map}]} {
    %mul3A = arith.constant 632 : i32
    %mul3A_0 = arith.muli %arg1, %mul3A : i32
    %mul3A_1 = arith.constant 632 : i32
    %mul3A_2 = arith.muli %arg1, %mul3A_1 : i32
    "tpu.region"() ({
      %run_scoped3A = tpu.sem_alloc : memref<!tpu.dma_semaphore, #tpu.memory_space<semaphore_mem>>
      %dma_start3A_29 = arith.constant 0 : i32
      %dma_start3A_30 = tpu.memref_slice %arg13[%mul3A_2, %dma_start3A_29] : memref<10112x128xf32, #tpu.memory_space<vmem_shared>> -> memref<632x128xf32, #tpu.memory_space<vmem_shared>>
      %dma_start3A_31 = arith.constant 0 : i32
      %dma_start3A_32 = tpu.memref_slice %arg5[%mul3A_0, %dma_start3A_31] : memref<10112x128xf32, #tpu.memory_space<hbm>> -> memref<632x128xf32, #tpu.memory_space<hbm>>
      tpu.enqueue_dma source(%dma_start3A_32 : memref<632x128xf32, #tpu.memory_space<hbm>>) target(%dma_start3A_30 : memref<632x128xf32, #tpu.memory_space<vmem_shared>>) target_semaphore(%run_scoped3A : memref<!tpu.dma_semaphore, #tpu.memory_space<semaphore_mem>>)
      %dma_wait3A_33 = arith.constant 0 : i32
      %dma_wait3A_34 = tpu.memref_slice %arg13[%mul3A_2, %dma_wait3A_33] : memref<10112x128xf32, #tpu.memory_space<vmem_shared>> -> memref<632x128xf32, #tpu.memory_space<vmem_shared>>
      %dma_wait3A_35 = arith.constant 0 : i32
      %dma_wait3A_36 = tpu.memref_slice %arg5[%mul3A_0, %dma_wait3A_35] : memref<10112x128xf32, #tpu.memory_space<hbm>> -> memref<632x128xf32, #tpu.memory_space<hbm>>
      tpu.wait_dma2 semaphore(%run_scoped3A : memref<!tpu.dma_semaphore, #tpu.memory_space<semaphore_mem>>) src(%dma_wait3A_36 : memref<632x128xf32, #tpu.memory_space<hbm>>) dst(%dma_wait3A_34 : memref<632x128xf32, #tpu.memory_space<vmem_shared>>)
      tpu.yield
    }) : () -> ()
    %barrier3A = arith.constant 0 : index
    tpu.barrier barrier_id(%barrier3A)
    %mul3A_3 = arith.constant 2 : i32
    %mul3A_4 = arith.muli %arg1, %mul3A_3 : i32
    %add3A = arith.addi %mul3A_4, %arg0 : i32
    %mul3A_5 = arith.constant 10240 : i32
    %mul3A_6 = arith.muli %add3A, %mul3A_5 : i32
    %add3A_7 = arith.constant 0 : i32
    %add3A_8 = arith.addi %mul3A_6, %add3A_7 : i32
    %dma_start3A = tpu.memref_slice %arg3[%add3A_8] : memref<327680xi32, #tpu.memory_space<hbm>> -> memref<128xi32, #tpu.memory_space<hbm>>
    %dma_start3A_9 = tpu.memref_slice %arg3[%add3A_8] : memref<327680xi32, #tpu.memory_space<hbm>> -> memref<128xi32, #tpu.memory_space<hbm>>
    tpu.enqueue_dma source(%dma_start3A_9 : memref<128xi32, #tpu.memory_space<hbm>>) target(%arg7 : memref<128xi32, #tpu.memory_space<vmem>>) target_semaphore(%arg14 : memref<!tpu.dma_semaphore, #tpu.memory_space<semaphore_mem>>)
    %add3A_10 = arith.constant 0 : i32
    %add3A_11 = arith.addi %mul3A_6, %add3A_10 : i32
    %dma_start3A_12 = tpu.memref_slice %arg4[%add3A_11] : memref<327680xi32, #tpu.memory_space<hbm>> -> memref<128xi32, #tpu.memory_space<hbm>>
    %dma_start3A_13 = tpu.memref_slice %arg4[%add3A_11] : memref<327680xi32, #tpu.memory_space<hbm>> -> memref<128xi32, #tpu.memory_space<hbm>>
    tpu.enqueue_dma source(%dma_start3A_13 : memref<128xi32, #tpu.memory_space<hbm>>) target(%arg8 : memref<128xi32, #tpu.memory_space<vmem>>) target_semaphore(%arg14 : memref<!tpu.dma_semaphore, #tpu.memory_space<semaphore_mem>>)
    %scan3A = arith.constant 0 : i32
    %scan3A_14 = arith.constant 0 : i32
    %scan3A_15 = arith.constant 40 : i32
    %scan3A_16 = arith.addi %scan3A_14, %scan3A_15 : i32
    %scan3A_17 = arith.constant 1 : i32
    scf.for %scan3A_29 = %scan3A_14 to %scan3A_16 step %scan3A_17  : i32 {
      %mul3A_30 = arith.constant 2 : i32
      %mul3A_31 = arith.muli %mul3A_30, %scan3A_29 : i32
      %add3A_32 = arith.constant 1 : i32
      %add3A_33 = arith.addi %mul3A_31, %add3A_32 : i32
      %gt3A = arith.constant 0 : i32
      %gt3A_34 = arith.cmpi sgt, %scan3A_29, %gt3A : i32
      %convert_element_type3A = arith.extui %gt3A_34 : i1 to i32
      %cond3A = arith.constant 0 : i32
      %cond3A_35 = arith.cmpi ne, %convert_element_type3A, %cond3A : i32
      scf.if %cond3A_35 {
        %dma_wait3A_93 = arith.constant 0 : i32
        %dma_wait3A_94 = arith.constant 0 : i32
        %dma_wait3A_95 = tpu.memref_slice %arg13[%dma_wait3A_93, %dma_wait3A_94] : memref<10112x128xf32, #tpu.memory_space<vmem_shared>> -> memref<10112x128xf32, #tpu.memory_space<vmem_shared>>
        tpu.wait_indirect_dma semaphore(%arg18 : memref<!tpu.dma_semaphore, #tpu.memory_space<semaphore_mem>>) src(%arg12 : memref<128x128xf32, #tpu.memory_space<vmem>>) dst(%dma_wait3A_95 : memref<10112x128xf32, #tpu.memory_space<vmem_shared>>)
      } else {
      }
      %mul3A_36 = arith.constant 128 : i32
      %mul3A_37 = arith.muli %add3A_33, %mul3A_36 : i32
      %add3A_38 = arith.addi %mul3A_6, %mul3A_37 : i32
      %dma_start3A_39 = tpu.memref_slice %arg3[%add3A_38] : memref<327680xi32, #tpu.memory_space<hbm>> -> memref<128xi32, #tpu.memory_space<hbm>>
      %dma_start3A_40 = tpu.memref_slice %arg3[%add3A_38] : memref<327680xi32, #tpu.memory_space<hbm>> -> memref<128xi32, #tpu.memory_space<hbm>>
      tpu.enqueue_dma source(%dma_start3A_40 : memref<128xi32, #tpu.memory_space<hbm>>) target(%arg9 : memref<128xi32, #tpu.memory_space<vmem>>) target_semaphore(%arg15 : memref<!tpu.dma_semaphore, #tpu.memory_space<semaphore_mem>>)
      %mul3A_41 = arith.constant 128 : i32
      %mul3A_42 = arith.muli %add3A_33, %mul3A_41 : i32
      %add3A_43 = arith.addi %mul3A_6, %mul3A_42 : i32
      %dma_start3A_44 = tpu.memref_slice %arg4[%add3A_43] : memref<327680xi32, #tpu.memory_space<hbm>> -> memref<128xi32, #tpu.memory_space<hbm>>
      %dma_start3A_45 = tpu.memref_slice %arg4[%add3A_43] : memref<327680xi32, #tpu.memory_space<hbm>> -> memref<128xi32, #tpu.memory_space<hbm>>
      tpu.enqueue_dma source(%dma_start3A_45 : memref<128xi32, #tpu.memory_space<hbm>>) target(%arg10 : memref<128xi32, #tpu.memory_space<vmem>>) target_semaphore(%arg15 : memref<!tpu.dma_semaphore, #tpu.memory_space<semaphore_mem>>)
      %mul3A_46 = arith.constant 128 : i32
      %mul3A_47 = arith.muli %mul3A_31, %mul3A_46 : i32
      %add3A_48 = arith.addi %mul3A_6, %mul3A_47 : i32
      %dma_wait3A_49 = tpu.memref_slice %arg3[%add3A_48] : memref<327680xi32, #tpu.memory_space<hbm>> -> memref<128xi32, #tpu.memory_space<hbm>>
      %dma_wait3A_50 = tpu.memref_slice %arg3[%add3A_48] : memref<327680xi32, #tpu.memory_space<hbm>> -> memref<128xi32, #tpu.memory_space<hbm>>
      tpu.wait_dma2 semaphore(%arg14 : memref<!tpu.dma_semaphore, #tpu.memory_space<semaphore_mem>>) src(%dma_wait3A_50 : memref<128xi32, #tpu.memory_space<hbm>>) dst(%arg7 : memref<128xi32, #tpu.memory_space<vmem>>)
      %mul3A_51 = arith.constant 128 : i32
      %mul3A_52 = arith.muli %mul3A_31, %mul3A_51 : i32
      %add3A_53 = arith.addi %mul3A_6, %mul3A_52 : i32
      %dma_wait3A_54 = tpu.memref_slice %arg4[%add3A_53] : memref<327680xi32, #tpu.memory_space<hbm>> -> memref<128xi32, #tpu.memory_space<hbm>>
      %dma_wait3A_55 = tpu.memref_slice %arg4[%add3A_53] : memref<327680xi32, #tpu.memory_space<hbm>> -> memref<128xi32, #tpu.memory_space<hbm>>
      tpu.wait_dma2 semaphore(%arg14 : memref<!tpu.dma_semaphore, #tpu.memory_space<semaphore_mem>>) src(%dma_wait3A_55 : memref<128xi32, #tpu.memory_space<hbm>>) dst(%arg8 : memref<128xi32, #tpu.memory_space<vmem>>)
      %dma_start3A_56 = arith.constant 0 : i32
      %dma_start3A_57 = arith.constant 0 : i32
      %dma_start3A_58 = tpu.memref_slice %arg2[%dma_start3A_56, %dma_start3A_57] : memref<10112x128xf32, #tpu.memory_space<hbm>> -> memref<10112x128xf32, #tpu.memory_space<hbm>>
      tpu.enqueue_indirect_dma source(%dma_start3A_58 : memref<10112x128xf32, #tpu.memory_space<hbm>>) target(%arg11 : memref<128x128xf32, #tpu.memory_space<vmem>>) offsets(%arg7 : memref<128xi32, #tpu.memory_space<vmem>>) semaphore(%arg16 : memref<!tpu.dma_semaphore, #tpu.memory_space<semaphore_mem>>)
      %dma_wait3A_59 = arith.constant 0 : i32
      %dma_wait3A_60 = arith.constant 0 : i32
      %dma_wait3A_61 = tpu.memref_slice %arg2[%dma_wait3A_59, %dma_wait3A_60] : memref<10112x128xf32, #tpu.memory_space<hbm>> -> memref<10112x128xf32, #tpu.memory_space<hbm>>
      tpu.wait_indirect_dma semaphore(%arg16 : memref<!tpu.dma_semaphore, #tpu.memory_space<semaphore_mem>>) src(%dma_wait3A_61 : memref<10112x128xf32, #tpu.memory_space<hbm>>) dst(%arg11 : memref<128x128xf32, #tpu.memory_space<vmem>>)
      %dma_start3A_62 = arith.constant 0 : i32
      %dma_start3A_63 = arith.constant 0 : i32
      %dma_start3A_64 = tpu.memref_slice %arg13[%dma_start3A_62, %dma_start3A_63] : memref<10112x128xf32, #tpu.memory_space<vmem_shared>> -> memref<10112x128xf32, #tpu.memory_space<vmem_shared>>
      tpu.enqueue_indirect_dma source(%arg11 : memref<128x128xf32, #tpu.memory_space<vmem>>) target(%dma_start3A_64 : memref<10112x128xf32, #tpu.memory_space<vmem_shared>>) offsets(%arg8 : memref<128xi32, #tpu.memory_space<vmem>>) semaphore(%arg17 : memref<!tpu.dma_semaphore, #tpu.memory_space<semaphore_mem>>) {add = true}
      %mul3A_65 = arith.constant 128 : i32
      %mul3A_66 = arith.muli %add3A_33, %mul3A_65 : i32
      %add3A_67 = arith.addi %mul3A_6, %mul3A_66 : i32
      %dma_wait3A_68 = tpu.memref_slice %arg3[%add3A_67] : memref<327680xi32, #tpu.memory_space<hbm>> -> memref<128xi32, #tpu.memory_space<hbm>>
      %dma_wait3A_69 = tpu.memref_slice %arg3[%add3A_67] : memref<327680xi32, #tpu.memory_space<hbm>> -> memref<128xi32, #tpu.memory_space<hbm>>
      tpu.wait_dma2 semaphore(%arg15 : memref<!tpu.dma_semaphore, #tpu.memory_space<semaphore_mem>>) src(%dma_wait3A_69 : memref<128xi32, #tpu.memory_space<hbm>>) dst(%arg9 : memref<128xi32, #tpu.memory_space<vmem>>)
      %mul3A_70 = arith.constant 128 : i32
      %mul3A_71 = arith.muli %add3A_33, %mul3A_70 : i32
      %add3A_72 = arith.addi %mul3A_6, %mul3A_71 : i32
      %dma_wait3A_73 = tpu.memref_slice %arg4[%add3A_72] : memref<327680xi32, #tpu.memory_space<hbm>> -> memref<128xi32, #tpu.memory_space<hbm>>
      %dma_wait3A_74 = tpu.memref_slice %arg4[%add3A_72] : memref<327680xi32, #tpu.memory_space<hbm>> -> memref<128xi32, #tpu.memory_space<hbm>>
      tpu.wait_dma2 semaphore(%arg15 : memref<!tpu.dma_semaphore, #tpu.memory_space<semaphore_mem>>) src(%dma_wait3A_74 : memref<128xi32, #tpu.memory_space<hbm>>) dst(%arg10 : memref<128xi32, #tpu.memory_space<vmem>>)
      %dma_start3A_75 = arith.constant 0 : i32
      %dma_start3A_76 = arith.constant 0 : i32
      %dma_start3A_77 = tpu.memref_slice %arg2[%dma_start3A_75, %dma_start3A_76] : memref<10112x128xf32, #tpu.memory_space<hbm>> -> memref<10112x128xf32, #tpu.memory_space<hbm>>
      tpu.enqueue_indirect_dma source(%dma_start3A_77 : memref<10112x128xf32, #tpu.memory_space<hbm>>) target(%arg12 : memref<128x128xf32, #tpu.memory_space<vmem>>) offsets(%arg9 : memref<128xi32, #tpu.memory_space<vmem>>) semaphore(%arg16 : memref<!tpu.dma_semaphore, #tpu.memory_space<semaphore_mem>>)
      %dma_wait3A_78 = arith.constant 0 : i32
      %dma_wait3A_79 = arith.constant 0 : i32
      %dma_wait3A_80 = tpu.memref_slice %arg2[%dma_wait3A_78, %dma_wait3A_79] : memref<10112x128xf32, #tpu.memory_space<hbm>> -> memref<10112x128xf32, #tpu.memory_space<hbm>>
      tpu.wait_indirect_dma semaphore(%arg16 : memref<!tpu.dma_semaphore, #tpu.memory_space<semaphore_mem>>) src(%dma_wait3A_80 : memref<10112x128xf32, #tpu.memory_space<hbm>>) dst(%arg12 : memref<128x128xf32, #tpu.memory_space<vmem>>)
      %dma_wait3A_81 = arith.constant 0 : i32
      %dma_wait3A_82 = arith.constant 0 : i32
      %dma_wait3A_83 = tpu.memref_slice %arg13[%dma_wait3A_81, %dma_wait3A_82] : memref<10112x128xf32, #tpu.memory_space<vmem_shared>> -> memref<10112x128xf32, #tpu.memory_space<vmem_shared>>
      tpu.wait_indirect_dma semaphore(%arg17 : memref<!tpu.dma_semaphore, #tpu.memory_space<semaphore_mem>>) src(%arg11 : memref<128x128xf32, #tpu.memory_space<vmem>>) dst(%dma_wait3A_83 : memref<10112x128xf32, #tpu.memory_space<vmem_shared>>)
      %add3A_84 = arith.constant 1 : i32
      %add3A_85 = arith.addi %scan3A_29, %add3A_84 : i32
      %lt3A = arith.constant 40 : i32
      %lt3A_86 = arith.cmpi slt, %add3A_85, %lt3A : i32
      %convert_element_type3A_87 = arith.extui %lt3A_86 : i1 to i32
      %cond3A_88 = arith.constant 0 : i32
      %cond3A_89 = arith.cmpi ne, %convert_element_type3A_87, %cond3A_88 : i32
      scf.if %cond3A_89 {
        %add3A_93 = arith.constant 2 : i32
        %add3A_94 = arith.addi %mul3A_31, %add3A_93 : i32
        %mul3A_95 = arith.constant 128 : i32
        %mul3A_96 = arith.muli %add3A_94, %mul3A_95 : i32
        %add3A_97 = arith.addi %mul3A_6, %mul3A_96 : i32
        %dma_start3A_98 = tpu.memref_slice %arg3[%add3A_97] : memref<327680xi32, #tpu.memory_space<hbm>> -> memref<128xi32, #tpu.memory_space<hbm>>
        %dma_start3A_99 = tpu.memref_slice %arg3[%add3A_97] : memref<327680xi32, #tpu.memory_space<hbm>> -> memref<128xi32, #tpu.memory_space<hbm>>
        tpu.enqueue_dma source(%dma_start3A_99 : memref<128xi32, #tpu.memory_space<hbm>>) target(%arg7 : memref<128xi32, #tpu.memory_space<vmem>>) target_semaphore(%arg14 : memref<!tpu.dma_semaphore, #tpu.memory_space<semaphore_mem>>)
        %mul3A_100 = arith.constant 128 : i32
        %mul3A_101 = arith.muli %add3A_94, %mul3A_100 : i32
        %add3A_102 = arith.addi %mul3A_6, %mul3A_101 : i32
        %dma_start3A_103 = tpu.memref_slice %arg4[%add3A_102] : memref<327680xi32, #tpu.memory_space<hbm>> -> memref<128xi32, #tpu.memory_space<hbm>>
        %dma_start3A_104 = tpu.memref_slice %arg4[%add3A_102] : memref<327680xi32, #tpu.memory_space<hbm>> -> memref<128xi32, #tpu.memory_space<hbm>>
        tpu.enqueue_dma source(%dma_start3A_104 : memref<128xi32, #tpu.memory_space<hbm>>) target(%arg8 : memref<128xi32, #tpu.memory_space<vmem>>) target_semaphore(%arg14 : memref<!tpu.dma_semaphore, #tpu.memory_space<semaphore_mem>>)
      } else {
      }
      %dma_start3A_90 = arith.constant 0 : i32
      %dma_start3A_91 = arith.constant 0 : i32
      %dma_start3A_92 = tpu.memref_slice %arg13[%dma_start3A_90, %dma_start3A_91] : memref<10112x128xf32, #tpu.memory_space<vmem_shared>> -> memref<10112x128xf32, #tpu.memory_space<vmem_shared>>
      tpu.enqueue_indirect_dma source(%arg12 : memref<128x128xf32, #tpu.memory_space<vmem>>) target(%dma_start3A_92 : memref<10112x128xf32, #tpu.memory_space<vmem_shared>>) offsets(%arg10 : memref<128xi32, #tpu.memory_space<vmem>>) semaphore(%arg18 : memref<!tpu.dma_semaphore, #tpu.memory_space<semaphore_mem>>) {add = true}
    }
    %scan3A_18 = arith.constant 40 : i32
    %dma_wait3A = arith.constant 0 : i32
    %dma_wait3A_19 = arith.constant 0 : i32
    %dma_wait3A_20 = tpu.memref_slice %arg13[%dma_wait3A, %dma_wait3A_19] : memref<10112x128xf32, #tpu.memory_space<vmem_shared>> -> memref<10112x128xf32, #tpu.memory_space<vmem_shared>>
    tpu.wait_indirect_dma semaphore(%arg18 : memref<!tpu.dma_semaphore, #tpu.memory_space<semaphore_mem>>) src(%arg12 : memref<128x128xf32, #tpu.memory_space<vmem>>) dst(%dma_wait3A_20 : memref<10112x128xf32, #tpu.memory_space<vmem_shared>>)
    %barrier3A_21 = arith.constant 0 : index
    tpu.barrier barrier_id(%barrier3A_21)
    %mul3A_22 = arith.constant 632 : i32
    %mul3A_23 = arith.muli %arg1, %mul3A_22 : i32
    %mul3A_24 = arith.constant 10112 : i32
    %mul3A_25 = arith.muli %arg0, %mul3A_24 : i32
    %mul3A_26 = arith.constant 632 : i32
    %mul3A_27 = arith.muli %arg1, %mul3A_26 : i32
    %add3A_28 = arith.addi %mul3A_25, %mul3A_27 : i32
    "tpu.region"() ({
      %run_scoped3A = tpu.sem_alloc : memref<!tpu.dma_semaphore, #tpu.memory_space<semaphore_mem>>
      %dma_start3A_29 = arith.constant 0 : i32
      %dma_start3A_30 = tpu.memref_slice %arg6[%add3A_28, %dma_start3A_29] : memref<20224x128xf32, #tpu.memory_space<hbm>> -> memref<632x128xf32, #tpu.memory_space<hbm>>
      %dma_start3A_31 = arith.constant 0 : i32
      %dma_start3A_32 = tpu.memref_slice %arg13[%mul3A_23, %dma_start3A_31] : memref<10112x128xf32, #tpu.memory_space<vmem_shared>> -> memref<632x128xf32, #tpu.memory_space<vmem_shared>>
      tpu.enqueue_dma source(%dma_start3A_32 : memref<632x128xf32, #tpu.memory_space<vmem_shared>>) target(%dma_start3A_30 : memref<632x128xf32, #tpu.memory_space<hbm>>) target_semaphore(%run_scoped3A : memref<!tpu.dma_semaphore, #tpu.memory_space<semaphore_mem>>)
      %dma_wait3A_33 = arith.constant 0 : i32
      %dma_wait3A_34 = tpu.memref_slice %arg6[%add3A_28, %dma_wait3A_33] : memref<20224x128xf32, #tpu.memory_space<hbm>> -> memref<632x128xf32, #tpu.memory_space<hbm>>
      %dma_wait3A_35 = arith.constant 0 : i32
      %dma_wait3A_36 = tpu.memref_slice %arg13[%mul3A_23, %dma_wait3A_35] : memref<10112x128xf32, #tpu.memory_space<vmem_shared>> -> memref<632x128xf32, #tpu.memory_space<vmem_shared>>
      tpu.wait_dma2 semaphore(%run_scoped3A : memref<!tpu.dma_semaphore, #tpu.memory_space<semaphore_mem>>) src(%dma_wait3A_36 : memref<632x128xf32, #tpu.memory_space<vmem_shared>>) dst(%dma_wait3A_34 : memref<632x128xf32, #tpu.memory_space<hbm>>)
      tpu.yield
    }) : () -> ()
    return
  }
}

#map = affine_map<(d0, d1) -> (0, 0)>
#map1 = affine_map<(d0, d1) -> (0)>
module attributes {stable_mosaic.version = 14 : i64} {
  func.func @_sc_aggregate(%arg0: i32, %arg1: i32, %arg2: memref<10112x128xf32, #tpu.memory_space<hbm>>, %arg3: memref<327680xi32, #tpu.memory_space<hbm>>, %arg4: memref<327680xi32, #tpu.memory_space<hbm>>, %arg5: memref<10112x128xf32, #tpu.memory_space<hbm>>, %arg6: memref<20224x128xf32, #tpu.memory_space<hbm>>, %arg7: memref<128xi32, #tpu.memory_space<vmem>>, %arg8: memref<128xi32, #tpu.memory_space<vmem>>, %arg9: memref<128xi32, #tpu.memory_space<vmem>>, %arg10: memref<128xi32, #tpu.memory_space<vmem>>, %arg11: memref<128x128xf32, #tpu.memory_space<vmem>>, %arg12: memref<128x128xf32, #tpu.memory_space<vmem>>, %arg13: memref<10112x128xf32, #tpu.memory_space<vmem_shared>>, %arg14: memref<!tpu.dma_semaphore, #tpu.memory_space<semaphore_mem>>, %arg15: memref<!tpu.dma_semaphore, #tpu.memory_space<semaphore_mem>>, %arg16: memref<!tpu.dma_semaphore, #tpu.memory_space<semaphore_mem>>, %arg17: memref<!tpu.dma_semaphore, #tpu.memory_space<semaphore_mem>>, %arg18: memref<!tpu.dma_semaphore, #tpu.memory_space<semaphore_mem>>) attributes {dimension_semantics = [#tpu.dimension_semantics<core_parallel>, #tpu.dimension_semantics<subcore_parallel>], iteration_bounds = array<i64: 2, 16>, scalar_prefetch = 0 : i64, scratch_operands = 12 : i64, tpu.core_type = #tpu.core_type<sc_vector_subcore>, window_params = [{transform_indices = #map}, {transform_indices = #map1}, {transform_indices = #map1}, {transform_indices = #map}, {transform_indices = #map}]} {
    %mul3A = arith.constant 632 : i32
    %mul3A_0 = arith.muli %arg1, %mul3A : i32
    %mul3A_1 = arith.constant 632 : i32
    %mul3A_2 = arith.muli %arg1, %mul3A_1 : i32
    "tpu.region"() ({
      %run_scoped3A = tpu.sem_alloc : memref<!tpu.dma_semaphore, #tpu.memory_space<semaphore_mem>>
      %dma_start3A_29 = arith.constant 0 : i32
      %dma_start3A_30 = tpu.memref_slice %arg13[%mul3A_2, %dma_start3A_29] : memref<10112x128xf32, #tpu.memory_space<vmem_shared>> -> memref<632x128xf32, #tpu.memory_space<vmem_shared>>
      %dma_start3A_31 = arith.constant 0 : i32
      %dma_start3A_32 = tpu.memref_slice %arg5[%mul3A_0, %dma_start3A_31] : memref<10112x128xf32, #tpu.memory_space<hbm>> -> memref<632x128xf32, #tpu.memory_space<hbm>>
      tpu.enqueue_dma source(%dma_start3A_32 : memref<632x128xf32, #tpu.memory_space<hbm>>) target(%dma_start3A_30 : memref<632x128xf32, #tpu.memory_space<vmem_shared>>) target_semaphore(%run_scoped3A : memref<!tpu.dma_semaphore, #tpu.memory_space<semaphore_mem>>)
      %dma_wait3A_33 = arith.constant 0 : i32
      %dma_wait3A_34 = tpu.memref_slice %arg13[%mul3A_2, %dma_wait3A_33] : memref<10112x128xf32, #tpu.memory_space<vmem_shared>> -> memref<632x128xf32, #tpu.memory_space<vmem_shared>>
      %dma_wait3A_35 = arith.constant 0 : i32
      %dma_wait3A_36 = tpu.memref_slice %arg5[%mul3A_0, %dma_wait3A_35] : memref<10112x128xf32, #tpu.memory_space<hbm>> -> memref<632x128xf32, #tpu.memory_space<hbm>>
      tpu.wait_dma2 semaphore(%run_scoped3A : memref<!tpu.dma_semaphore, #tpu.memory_space<semaphore_mem>>) src(%dma_wait3A_36 : memref<632x128xf32, #tpu.memory_space<hbm>>) dst(%dma_wait3A_34 : memref<632x128xf32, #tpu.memory_space<vmem_shared>>)
      tpu.yield
    }) : () -> ()
    %barrier3A = arith.constant 0 : index
    tpu.barrier barrier_id(%barrier3A)
    %mul3A_3 = arith.constant 2 : i32
    %mul3A_4 = arith.muli %arg1, %mul3A_3 : i32
    %add3A = arith.addi %mul3A_4, %arg0 : i32
    %mul3A_5 = arith.constant 10240 : i32
    %mul3A_6 = arith.muli %add3A, %mul3A_5 : i32
    %add3A_7 = arith.constant 0 : i32
    %add3A_8 = arith.addi %mul3A_6, %add3A_7 : i32
    %dma_start3A = tpu.memref_slice %arg3[%add3A_8] : memref<327680xi32, #tpu.memory_space<hbm>> -> memref<128xi32, #tpu.memory_space<hbm>>
    %dma_start3A_9 = tpu.memref_slice %arg3[%add3A_8] : memref<327680xi32, #tpu.memory_space<hbm>> -> memref<128xi32, #tpu.memory_space<hbm>>
    tpu.enqueue_dma source(%dma_start3A_9 : memref<128xi32, #tpu.memory_space<hbm>>) target(%arg7 : memref<128xi32, #tpu.memory_space<vmem>>) target_semaphore(%arg14 : memref<!tpu.dma_semaphore, #tpu.memory_space<semaphore_mem>>)
    %add3A_10 = arith.constant 0 : i32
    %add3A_11 = arith.addi %mul3A_6, %add3A_10 : i32
    %dma_start3A_12 = tpu.memref_slice %arg4[%add3A_11] : memref<327680xi32, #tpu.memory_space<hbm>> -> memref<128xi32, #tpu.memory_space<hbm>>
    %dma_start3A_13 = tpu.memref_slice %arg4[%add3A_11] : memref<327680xi32, #tpu.memory_space<hbm>> -> memref<128xi32, #tpu.memory_space<hbm>>
    tpu.enqueue_dma source(%dma_start3A_13 : memref<128xi32, #tpu.memory_space<hbm>>) target(%arg8 : memref<128xi32, #tpu.memory_space<vmem>>) target_semaphore(%arg14 : memref<!tpu.dma_semaphore, #tpu.memory_space<semaphore_mem>>)
    %scan3A = arith.constant 0 : i32
    %scan3A_14 = arith.constant 0 : i32
    %scan3A_15 = arith.constant 40 : i32
    %scan3A_16 = arith.addi %scan3A_14, %scan3A_15 : i32
    %scan3A_17 = arith.constant 1 : i32
    scf.for %scan3A_29 = %scan3A_14 to %scan3A_16 step %scan3A_17  : i32 {
      %mul3A_30 = arith.constant 2 : i32
      %mul3A_31 = arith.muli %mul3A_30, %scan3A_29 : i32
      %add3A_32 = arith.constant 1 : i32
      %add3A_33 = arith.addi %mul3A_31, %add3A_32 : i32
      %gt3A = arith.constant 0 : i32
      %gt3A_34 = arith.cmpi sgt, %scan3A_29, %gt3A : i32
      %convert_element_type3A = arith.extui %gt3A_34 : i1 to i32
      %cond3A = arith.constant 0 : i32
      %cond3A_35 = arith.cmpi ne, %convert_element_type3A, %cond3A : i32
      scf.if %cond3A_35 {
        %dma_wait3A_93 = arith.constant 0 : i32
        %dma_wait3A_94 = arith.constant 0 : i32
        %dma_wait3A_95 = tpu.memref_slice %arg13[%dma_wait3A_93, %dma_wait3A_94] : memref<10112x128xf32, #tpu.memory_space<vmem_shared>> -> memref<10112x128xf32, #tpu.memory_space<vmem_shared>>
        tpu.wait_indirect_dma semaphore(%arg18 : memref<!tpu.dma_semaphore, #tpu.memory_space<semaphore_mem>>) src(%arg12 : memref<128x128xf32, #tpu.memory_space<vmem>>) dst(%dma_wait3A_95 : memref<10112x128xf32, #tpu.memory_space<vmem_shared>>)
      } else {
      }
      %mul3A_36 = arith.constant 128 : i32
      %mul3A_37 = arith.muli %add3A_33, %mul3A_36 : i32
      %add3A_38 = arith.addi %mul3A_6, %mul3A_37 : i32
      %dma_start3A_39 = tpu.memref_slice %arg3[%add3A_38] : memref<327680xi32, #tpu.memory_space<hbm>> -> memref<128xi32, #tpu.memory_space<hbm>>
      %dma_start3A_40 = tpu.memref_slice %arg3[%add3A_38] : memref<327680xi32, #tpu.memory_space<hbm>> -> memref<128xi32, #tpu.memory_space<hbm>>
      tpu.enqueue_dma source(%dma_start3A_40 : memref<128xi32, #tpu.memory_space<hbm>>) target(%arg9 : memref<128xi32, #tpu.memory_space<vmem>>) target_semaphore(%arg15 : memref<!tpu.dma_semaphore, #tpu.memory_space<semaphore_mem>>)
      %mul3A_41 = arith.constant 128 : i32
      %mul3A_42 = arith.muli %add3A_33, %mul3A_41 : i32
      %add3A_43 = arith.addi %mul3A_6, %mul3A_42 : i32
      %dma_start3A_44 = tpu.memref_slice %arg4[%add3A_43] : memref<327680xi32, #tpu.memory_space<hbm>> -> memref<128xi32, #tpu.memory_space<hbm>>
      %dma_start3A_45 = tpu.memref_slice %arg4[%add3A_43] : memref<327680xi32, #tpu.memory_space<hbm>> -> memref<128xi32, #tpu.memory_space<hbm>>
      tpu.enqueue_dma source(%dma_start3A_45 : memref<128xi32, #tpu.memory_space<hbm>>) target(%arg10 : memref<128xi32, #tpu.memory_space<vmem>>) target_semaphore(%arg15 : memref<!tpu.dma_semaphore, #tpu.memory_space<semaphore_mem>>)
      %mul3A_46 = arith.constant 128 : i32
      %mul3A_47 = arith.muli %mul3A_31, %mul3A_46 : i32
      %add3A_48 = arith.addi %mul3A_6, %mul3A_47 : i32
      %dma_wait3A_49 = tpu.memref_slice %arg3[%add3A_48] : memref<327680xi32, #tpu.memory_space<hbm>> -> memref<128xi32, #tpu.memory_space<hbm>>
      %dma_wait3A_50 = tpu.memref_slice %arg3[%add3A_48] : memref<327680xi32, #tpu.memory_space<hbm>> -> memref<128xi32, #tpu.memory_space<hbm>>
      tpu.wait_dma2 semaphore(%arg14 : memref<!tpu.dma_semaphore, #tpu.memory_space<semaphore_mem>>) src(%dma_wait3A_50 : memref<128xi32, #tpu.memory_space<hbm>>) dst(%arg7 : memref<128xi32, #tpu.memory_space<vmem>>)
      %mul3A_51 = arith.constant 128 : i32
      %mul3A_52 = arith.muli %mul3A_31, %mul3A_51 : i32
      %add3A_53 = arith.addi %mul3A_6, %mul3A_52 : i32
      %dma_wait3A_54 = tpu.memref_slice %arg4[%add3A_53] : memref<327680xi32, #tpu.memory_space<hbm>> -> memref<128xi32, #tpu.memory_space<hbm>>
      %dma_wait3A_55 = tpu.memref_slice %arg4[%add3A_53] : memref<327680xi32, #tpu.memory_space<hbm>> -> memref<128xi32, #tpu.memory_space<hbm>>
      tpu.wait_dma2 semaphore(%arg14 : memref<!tpu.dma_semaphore, #tpu.memory_space<semaphore_mem>>) src(%dma_wait3A_55 : memref<128xi32, #tpu.memory_space<hbm>>) dst(%arg8 : memref<128xi32, #tpu.memory_space<vmem>>)
      %dma_start3A_56 = arith.constant 0 : i32
      %dma_start3A_57 = arith.constant 0 : i32
      %dma_start3A_58 = tpu.memref_slice %arg2[%dma_start3A_56, %dma_start3A_57] : memref<10112x128xf32, #tpu.memory_space<hbm>> -> memref<10112x128xf32, #tpu.memory_space<hbm>>
      tpu.enqueue_indirect_dma source(%dma_start3A_58 : memref<10112x128xf32, #tpu.memory_space<hbm>>) target(%arg11 : memref<128x128xf32, #tpu.memory_space<vmem>>) offsets(%arg7 : memref<128xi32, #tpu.memory_space<vmem>>) semaphore(%arg16 : memref<!tpu.dma_semaphore, #tpu.memory_space<semaphore_mem>>)
      %dma_wait3A_59 = arith.constant 0 : i32
      %dma_wait3A_60 = arith.constant 0 : i32
      %dma_wait3A_61 = tpu.memref_slice %arg2[%dma_wait3A_59, %dma_wait3A_60] : memref<10112x128xf32, #tpu.memory_space<hbm>> -> memref<10112x128xf32, #tpu.memory_space<hbm>>
      tpu.wait_indirect_dma semaphore(%arg16 : memref<!tpu.dma_semaphore, #tpu.memory_space<semaphore_mem>>) src(%dma_wait3A_61 : memref<10112x128xf32, #tpu.memory_space<hbm>>) dst(%arg11 : memref<128x128xf32, #tpu.memory_space<vmem>>)
      %dma_start3A_62 = arith.constant 0 : i32
      %dma_start3A_63 = arith.constant 0 : i32
      %dma_start3A_64 = tpu.memref_slice %arg13[%dma_start3A_62, %dma_start3A_63] : memref<10112x128xf32, #tpu.memory_space<vmem_shared>> -> memref<10112x128xf32, #tpu.memory_space<vmem_shared>>
      tpu.enqueue_indirect_dma source(%arg11 : memref<128x128xf32, #tpu.memory_space<vmem>>) target(%dma_start3A_64 : memref<10112x128xf32, #tpu.memory_space<vmem_shared>>) offsets(%arg8 : memref<128xi32, #tpu.memory_space<vmem>>) semaphore(%arg17 : memref<!tpu.dma_semaphore, #tpu.memory_space<semaphore_mem>>) {add = true}
      %mul3A_65 = arith.constant 128 : i32
      %mul3A_66 = arith.muli %add3A_33, %mul3A_65 : i32
      %add3A_67 = arith.addi %mul3A_6, %mul3A_66 : i32
      %dma_wait3A_68 = tpu.memref_slice %arg3[%add3A_67] : memref<327680xi32, #tpu.memory_space<hbm>> -> memref<128xi32, #tpu.memory_space<hbm>>
      %dma_wait3A_69 = tpu.memref_slice %arg3[%add3A_67] : memref<327680xi32, #tpu.memory_space<hbm>> -> memref<128xi32, #tpu.memory_space<hbm>>
      tpu.wait_dma2 semaphore(%arg15 : memref<!tpu.dma_semaphore, #tpu.memory_space<semaphore_mem>>) src(%dma_wait3A_69 : memref<128xi32, #tpu.memory_space<hbm>>) dst(%arg9 : memref<128xi32, #tpu.memory_space<vmem>>)
      %mul3A_70 = arith.constant 128 : i32
      %mul3A_71 = arith.muli %add3A_33, %mul3A_70 : i32
      %add3A_72 = arith.addi %mul3A_6, %mul3A_71 : i32
      %dma_wait3A_73 = tpu.memref_slice %arg4[%add3A_72] : memref<327680xi32, #tpu.memory_space<hbm>> -> memref<128xi32, #tpu.memory_space<hbm>>
      %dma_wait3A_74 = tpu.memref_slice %arg4[%add3A_72] : memref<327680xi32, #tpu.memory_space<hbm>> -> memref<128xi32, #tpu.memory_space<hbm>>
      tpu.wait_dma2 semaphore(%arg15 : memref<!tpu.dma_semaphore, #tpu.memory_space<semaphore_mem>>) src(%dma_wait3A_74 : memref<128xi32, #tpu.memory_space<hbm>>) dst(%arg10 : memref<128xi32, #tpu.memory_space<vmem>>)
      %dma_start3A_75 = arith.constant 0 : i32
      %dma_start3A_76 = arith.constant 0 : i32
      %dma_start3A_77 = tpu.memref_slice %arg2[%dma_start3A_75, %dma_start3A_76] : memref<10112x128xf32, #tpu.memory_space<hbm>> -> memref<10112x128xf32, #tpu.memory_space<hbm>>
      tpu.enqueue_indirect_dma source(%dma_start3A_77 : memref<10112x128xf32, #tpu.memory_space<hbm>>) target(%arg12 : memref<128x128xf32, #tpu.memory_space<vmem>>) offsets(%arg9 : memref<128xi32, #tpu.memory_space<vmem>>) semaphore(%arg16 : memref<!tpu.dma_semaphore, #tpu.memory_space<semaphore_mem>>)
      %dma_wait3A_78 = arith.constant 0 : i32
      %dma_wait3A_79 = arith.constant 0 : i32
      %dma_wait3A_80 = tpu.memref_slice %arg2[%dma_wait3A_78, %dma_wait3A_79] : memref<10112x128xf32, #tpu.memory_space<hbm>> -> memref<10112x128xf32, #tpu.memory_space<hbm>>
      tpu.wait_indirect_dma semaphore(%arg16 : memref<!tpu.dma_semaphore, #tpu.memory_space<semaphore_mem>>) src(%dma_wait3A_80 : memref<10112x128xf32, #tpu.memory_space<hbm>>) dst(%arg12 : memref<128x128xf32, #tpu.memory_space<vmem>>)
      %dma_wait3A_81 = arith.constant 0 : i32
      %dma_wait3A_82 = arith.constant 0 : i32
      %dma_wait3A_83 = tpu.memref_slice %arg13[%dma_wait3A_81, %dma_wait3A_82] : memref<10112x128xf32, #tpu.memory_space<vmem_shared>> -> memref<10112x128xf32, #tpu.memory_space<vmem_shared>>
      tpu.wait_indirect_dma semaphore(%arg17 : memref<!tpu.dma_semaphore, #tpu.memory_space<semaphore_mem>>) src(%arg11 : memref<128x128xf32, #tpu.memory_space<vmem>>) dst(%dma_wait3A_83 : memref<10112x128xf32, #tpu.memory_space<vmem_shared>>)
      %add3A_84 = arith.constant 1 : i32
      %add3A_85 = arith.addi %scan3A_29, %add3A_84 : i32
      %lt3A = arith.constant 40 : i32
      %lt3A_86 = arith.cmpi slt, %add3A_85, %lt3A : i32
      %convert_element_type3A_87 = arith.extui %lt3A_86 : i1 to i32
      %cond3A_88 = arith.constant 0 : i32
      %cond3A_89 = arith.cmpi ne, %convert_element_type3A_87, %cond3A_88 : i32
      scf.if %cond3A_89 {
        %add3A_93 = arith.constant 2 : i32
        %add3A_94 = arith.addi %mul3A_31, %add3A_93 : i32
        %mul3A_95 = arith.constant 128 : i32
        %mul3A_96 = arith.muli %add3A_94, %mul3A_95 : i32
        %add3A_97 = arith.addi %mul3A_6, %mul3A_96 : i32
        %dma_start3A_98 = tpu.memref_slice %arg3[%add3A_97] : memref<327680xi32, #tpu.memory_space<hbm>> -> memref<128xi32, #tpu.memory_space<hbm>>
        %dma_start3A_99 = tpu.memref_slice %arg3[%add3A_97] : memref<327680xi32, #tpu.memory_space<hbm>> -> memref<128xi32, #tpu.memory_space<hbm>>
        tpu.enqueue_dma source(%dma_start3A_99 : memref<128xi32, #tpu.memory_space<hbm>>) target(%arg7 : memref<128xi32, #tpu.memory_space<vmem>>) target_semaphore(%arg14 : memref<!tpu.dma_semaphore, #tpu.memory_space<semaphore_mem>>)
        %mul3A_100 = arith.constant 128 : i32
        %mul3A_101 = arith.muli %add3A_94, %mul3A_100 : i32
        %add3A_102 = arith.addi %mul3A_6, %mul3A_101 : i32
        %dma_start3A_103 = tpu.memref_slice %arg4[%add3A_102] : memref<327680xi32, #tpu.memory_space<hbm>> -> memref<128xi32, #tpu.memory_space<hbm>>
        %dma_start3A_104 = tpu.memref_slice %arg4[%add3A_102] : memref<327680xi32, #tpu.memory_space<hbm>> -> memref<128xi32, #tpu.memory_space<hbm>>
        tpu.enqueue_dma source(%dma_start3A_104 : memref<128xi32, #tpu.memory_space<hbm>>) target(%arg8 : memref<128xi32, #tpu.memory_space<vmem>>) target_semaphore(%arg14 : memref<!tpu.dma_semaphore, #tpu.memory_space<semaphore_mem>>)
      } else {
      }
      %dma_start3A_90 = arith.constant 0 : i32
      %dma_start3A_91 = arith.constant 0 : i32
      %dma_start3A_92 = tpu.memref_slice %arg13[%dma_start3A_90, %dma_start3A_91] : memref<10112x128xf32, #tpu.memory_space<vmem_shared>> -> memref<10112x128xf32, #tpu.memory_space<vmem_shared>>
      tpu.enqueue_indirect_dma source(%arg12 : memref<128x128xf32, #tpu.memory_space<vmem>>) target(%dma_start3A_92 : memref<10112x128xf32, #tpu.memory_space<vmem_shared>>) offsets(%arg10 : memref<128xi32, #tpu.memory_space<vmem>>) semaphore(%arg18 : memref<!tpu.dma_semaphore, #tpu.memory_space<semaphore_mem>>) {add = true}
    }
    %scan3A_18 = arith.constant 40 : i32
    %dma_wait3A = arith.constant 0 : i32
    %dma_wait3A_19 = arith.constant 0 : i32
    %dma_wait3A_20 = tpu.memref_slice %arg13[%dma_wait3A, %dma_wait3A_19] : memref<10112x128xf32, #tpu.memory_space<vmem_shared>> -> memref<10112x128xf32, #tpu.memory_space<vmem_shared>>
    tpu.wait_indirect_dma semaphore(%arg18 : memref<!tpu.dma_semaphore, #tpu.memory_space<semaphore_mem>>) src(%arg12 : memref<128x128xf32, #tpu.memory_space<vmem>>) dst(%dma_wait3A_20 : memref<10112x128xf32, #tpu.memory_space<vmem_shared>>)
    %barrier3A_21 = arith.constant 0 : index
    tpu.barrier barrier_id(%barrier3A_21)
    %mul3A_22 = arith.constant 632 : i32
    %mul3A_23 = arith.muli %arg1, %mul3A_22 : i32
    %mul3A_24 = arith.constant 10112 : i32
    %mul3A_25 = arith.muli %arg0, %mul3A_24 : i32
    %mul3A_26 = arith.constant 632 : i32
    %mul3A_27 = arith.muli %arg1, %mul3A_26 : i32
    %add3A_28 = arith.addi %mul3A_25, %mul3A_27 : i32
    "tpu.region"() ({
      %run_scoped3A = tpu.sem_alloc : memref<!tpu.dma_semaphore, #tpu.memory_space<semaphore_mem>>
      %dma_start3A_29 = arith.constant 0 : i32
      %dma_start3A_30 = tpu.memref_slice %arg6[%add3A_28, %dma_start3A_29] : memref<20224x128xf32, #tpu.memory_space<hbm>> -> memref<632x128xf32, #tpu.memory_space<hbm>>
      %dma_start3A_31 = arith.constant 0 : i32
      %dma_start3A_32 = tpu.memref_slice %arg13[%mul3A_23, %dma_start3A_31] : memref<10112x128xf32, #tpu.memory_space<vmem_shared>> -> memref<632x128xf32, #tpu.memory_space<vmem_shared>>
      tpu.enqueue_dma source(%dma_start3A_32 : memref<632x128xf32, #tpu.memory_space<vmem_shared>>) target(%dma_start3A_30 : memref<632x128xf32, #tpu.memory_space<hbm>>) target_semaphore(%run_scoped3A : memref<!tpu.dma_semaphore, #tpu.memory_space<semaphore_mem>>)
      %dma_wait3A_33 = arith.constant 0 : i32
      %dma_wait3A_34 = tpu.memref_slice %arg6[%add3A_28, %dma_wait3A_33] : memref<20224x128xf32, #tpu.memory_space<hbm>> -> memref<632x128xf32, #tpu.memory_space<hbm>>
      %dma_wait3A_35 = arith.constant 0 : i32
      %dma_wait3A_36 = tpu.memref_slice %arg13[%mul3A_23, %dma_wait3A_35] : memref<10112x128xf32, #tpu.memory_space<vmem_shared>> -> memref<632x128xf32, #tpu.memory_space<vmem_shared>>
      tpu.wait_dma2 semaphore(%run_scoped3A : memref<!tpu.dma_semaphore, #tpu.memory_space<semaphore_mem>>) src(%dma_wait3A_36 : memref<632x128xf32, #tpu.memory_space<vmem_shared>>) dst(%dma_wait3A_34 : memref<632x128xf32, #tpu.memory_space<hbm>>)
      tpu.yield
    }) : () -> ()
    return
  }
}

#map = affine_map<(d0, d1) -> (0, 0)>
#map1 = affine_map<(d0, d1) -> (0)>
module attributes {stable_mosaic.version = 14 : i64} {
  func.func @_sc_aggregate(%arg0: i32, %arg1: i32, %arg2: memref<10112x128xf32, #tpu.memory_space<hbm>>, %arg3: memref<327680xi32, #tpu.memory_space<hbm>>, %arg4: memref<327680xi32, #tpu.memory_space<hbm>>, %arg5: memref<10112x128xf32, #tpu.memory_space<hbm>>, %arg6: memref<20224x128xf32, #tpu.memory_space<hbm>>, %arg7: memref<128xi32, #tpu.memory_space<vmem>>, %arg8: memref<128xi32, #tpu.memory_space<vmem>>, %arg9: memref<128xi32, #tpu.memory_space<vmem>>, %arg10: memref<128xi32, #tpu.memory_space<vmem>>, %arg11: memref<128x128xf32, #tpu.memory_space<vmem>>, %arg12: memref<128x128xf32, #tpu.memory_space<vmem>>, %arg13: memref<10112x128xf32, #tpu.memory_space<vmem_shared>>, %arg14: memref<!tpu.dma_semaphore, #tpu.memory_space<semaphore_mem>>, %arg15: memref<!tpu.dma_semaphore, #tpu.memory_space<semaphore_mem>>, %arg16: memref<!tpu.dma_semaphore, #tpu.memory_space<semaphore_mem>>, %arg17: memref<!tpu.dma_semaphore, #tpu.memory_space<semaphore_mem>>, %arg18: memref<!tpu.dma_semaphore, #tpu.memory_space<semaphore_mem>>) attributes {dimension_semantics = [#tpu.dimension_semantics<core_parallel>, #tpu.dimension_semantics<subcore_parallel>], iteration_bounds = array<i64: 2, 16>, scalar_prefetch = 0 : i64, scratch_operands = 12 : i64, tpu.core_type = #tpu.core_type<sc_vector_subcore>, window_params = [{transform_indices = #map}, {transform_indices = #map1}, {transform_indices = #map1}, {transform_indices = #map}, {transform_indices = #map}]} {
    %mul3A = arith.constant 632 : i32
    %mul3A_0 = arith.muli %arg1, %mul3A : i32
    %mul3A_1 = arith.constant 632 : i32
    %mul3A_2 = arith.muli %arg1, %mul3A_1 : i32
    "tpu.region"() ({
      %run_scoped3A = tpu.sem_alloc : memref<!tpu.dma_semaphore, #tpu.memory_space<semaphore_mem>>
      %dma_start3A_29 = arith.constant 0 : i32
      %dma_start3A_30 = tpu.memref_slice %arg13[%mul3A_2, %dma_start3A_29] : memref<10112x128xf32, #tpu.memory_space<vmem_shared>> -> memref<632x128xf32, #tpu.memory_space<vmem_shared>>
      %dma_start3A_31 = arith.constant 0 : i32
      %dma_start3A_32 = tpu.memref_slice %arg5[%mul3A_0, %dma_start3A_31] : memref<10112x128xf32, #tpu.memory_space<hbm>> -> memref<632x128xf32, #tpu.memory_space<hbm>>
      tpu.enqueue_dma source(%dma_start3A_32 : memref<632x128xf32, #tpu.memory_space<hbm>>) target(%dma_start3A_30 : memref<632x128xf32, #tpu.memory_space<vmem_shared>>) target_semaphore(%run_scoped3A : memref<!tpu.dma_semaphore, #tpu.memory_space<semaphore_mem>>)
      %dma_wait3A_33 = arith.constant 0 : i32
      %dma_wait3A_34 = tpu.memref_slice %arg13[%mul3A_2, %dma_wait3A_33] : memref<10112x128xf32, #tpu.memory_space<vmem_shared>> -> memref<632x128xf32, #tpu.memory_space<vmem_shared>>
      %dma_wait3A_35 = arith.constant 0 : i32
      %dma_wait3A_36 = tpu.memref_slice %arg5[%mul3A_0, %dma_wait3A_35] : memref<10112x128xf32, #tpu.memory_space<hbm>> -> memref<632x128xf32, #tpu.memory_space<hbm>>
      tpu.wait_dma2 semaphore(%run_scoped3A : memref<!tpu.dma_semaphore, #tpu.memory_space<semaphore_mem>>) src(%dma_wait3A_36 : memref<632x128xf32, #tpu.memory_space<hbm>>) dst(%dma_wait3A_34 : memref<632x128xf32, #tpu.memory_space<vmem_shared>>)
      tpu.yield
    }) : () -> ()
    %barrier3A = arith.constant 0 : index
    tpu.barrier barrier_id(%barrier3A)
    %mul3A_3 = arith.constant 2 : i32
    %mul3A_4 = arith.muli %arg1, %mul3A_3 : i32
    %add3A = arith.addi %mul3A_4, %arg0 : i32
    %mul3A_5 = arith.constant 10240 : i32
    %mul3A_6 = arith.muli %add3A, %mul3A_5 : i32
    %add3A_7 = arith.constant 0 : i32
    %add3A_8 = arith.addi %mul3A_6, %add3A_7 : i32
    %dma_start3A = tpu.memref_slice %arg3[%add3A_8] : memref<327680xi32, #tpu.memory_space<hbm>> -> memref<128xi32, #tpu.memory_space<hbm>>
    %dma_start3A_9 = tpu.memref_slice %arg3[%add3A_8] : memref<327680xi32, #tpu.memory_space<hbm>> -> memref<128xi32, #tpu.memory_space<hbm>>
    tpu.enqueue_dma source(%dma_start3A_9 : memref<128xi32, #tpu.memory_space<hbm>>) target(%arg7 : memref<128xi32, #tpu.memory_space<vmem>>) target_semaphore(%arg14 : memref<!tpu.dma_semaphore, #tpu.memory_space<semaphore_mem>>)
    %add3A_10 = arith.constant 0 : i32
    %add3A_11 = arith.addi %mul3A_6, %add3A_10 : i32
    %dma_start3A_12 = tpu.memref_slice %arg4[%add3A_11] : memref<327680xi32, #tpu.memory_space<hbm>> -> memref<128xi32, #tpu.memory_space<hbm>>
    %dma_start3A_13 = tpu.memref_slice %arg4[%add3A_11] : memref<327680xi32, #tpu.memory_space<hbm>> -> memref<128xi32, #tpu.memory_space<hbm>>
    tpu.enqueue_dma source(%dma_start3A_13 : memref<128xi32, #tpu.memory_space<hbm>>) target(%arg8 : memref<128xi32, #tpu.memory_space<vmem>>) target_semaphore(%arg14 : memref<!tpu.dma_semaphore, #tpu.memory_space<semaphore_mem>>)
    %scan3A = arith.constant 0 : i32
    %scan3A_14 = arith.constant 0 : i32
    %scan3A_15 = arith.constant 40 : i32
    %scan3A_16 = arith.addi %scan3A_14, %scan3A_15 : i32
    %scan3A_17 = arith.constant 1 : i32
    scf.for %scan3A_29 = %scan3A_14 to %scan3A_16 step %scan3A_17  : i32 {
      %mul3A_30 = arith.constant 2 : i32
      %mul3A_31 = arith.muli %mul3A_30, %scan3A_29 : i32
      %add3A_32 = arith.constant 1 : i32
      %add3A_33 = arith.addi %mul3A_31, %add3A_32 : i32
      %gt3A = arith.constant 0 : i32
      %gt3A_34 = arith.cmpi sgt, %scan3A_29, %gt3A : i32
      %convert_element_type3A = arith.extui %gt3A_34 : i1 to i32
      %cond3A = arith.constant 0 : i32
      %cond3A_35 = arith.cmpi ne, %convert_element_type3A, %cond3A : i32
      scf.if %cond3A_35 {
        %dma_wait3A_93 = arith.constant 0 : i32
        %dma_wait3A_94 = arith.constant 0 : i32
        %dma_wait3A_95 = tpu.memref_slice %arg13[%dma_wait3A_93, %dma_wait3A_94] : memref<10112x128xf32, #tpu.memory_space<vmem_shared>> -> memref<10112x128xf32, #tpu.memory_space<vmem_shared>>
        tpu.wait_indirect_dma semaphore(%arg18 : memref<!tpu.dma_semaphore, #tpu.memory_space<semaphore_mem>>) src(%arg12 : memref<128x128xf32, #tpu.memory_space<vmem>>) dst(%dma_wait3A_95 : memref<10112x128xf32, #tpu.memory_space<vmem_shared>>)
      } else {
      }
      %mul3A_36 = arith.constant 128 : i32
      %mul3A_37 = arith.muli %add3A_33, %mul3A_36 : i32
      %add3A_38 = arith.addi %mul3A_6, %mul3A_37 : i32
      %dma_start3A_39 = tpu.memref_slice %arg3[%add3A_38] : memref<327680xi32, #tpu.memory_space<hbm>> -> memref<128xi32, #tpu.memory_space<hbm>>
      %dma_start3A_40 = tpu.memref_slice %arg3[%add3A_38] : memref<327680xi32, #tpu.memory_space<hbm>> -> memref<128xi32, #tpu.memory_space<hbm>>
      tpu.enqueue_dma source(%dma_start3A_40 : memref<128xi32, #tpu.memory_space<hbm>>) target(%arg9 : memref<128xi32, #tpu.memory_space<vmem>>) target_semaphore(%arg15 : memref<!tpu.dma_semaphore, #tpu.memory_space<semaphore_mem>>)
      %mul3A_41 = arith.constant 128 : i32
      %mul3A_42 = arith.muli %add3A_33, %mul3A_41 : i32
      %add3A_43 = arith.addi %mul3A_6, %mul3A_42 : i32
      %dma_start3A_44 = tpu.memref_slice %arg4[%add3A_43] : memref<327680xi32, #tpu.memory_space<hbm>> -> memref<128xi32, #tpu.memory_space<hbm>>
      %dma_start3A_45 = tpu.memref_slice %arg4[%add3A_43] : memref<327680xi32, #tpu.memory_space<hbm>> -> memref<128xi32, #tpu.memory_space<hbm>>
      tpu.enqueue_dma source(%dma_start3A_45 : memref<128xi32, #tpu.memory_space<hbm>>) target(%arg10 : memref<128xi32, #tpu.memory_space<vmem>>) target_semaphore(%arg15 : memref<!tpu.dma_semaphore, #tpu.memory_space<semaphore_mem>>)
      %mul3A_46 = arith.constant 128 : i32
      %mul3A_47 = arith.muli %mul3A_31, %mul3A_46 : i32
      %add3A_48 = arith.addi %mul3A_6, %mul3A_47 : i32
      %dma_wait3A_49 = tpu.memref_slice %arg3[%add3A_48] : memref<327680xi32, #tpu.memory_space<hbm>> -> memref<128xi32, #tpu.memory_space<hbm>>
      %dma_wait3A_50 = tpu.memref_slice %arg3[%add3A_48] : memref<327680xi32, #tpu.memory_space<hbm>> -> memref<128xi32, #tpu.memory_space<hbm>>
      tpu.wait_dma2 semaphore(%arg14 : memref<!tpu.dma_semaphore, #tpu.memory_space<semaphore_mem>>) src(%dma_wait3A_50 : memref<128xi32, #tpu.memory_space<hbm>>) dst(%arg7 : memref<128xi32, #tpu.memory_space<vmem>>)
      %mul3A_51 = arith.constant 128 : i32
      %mul3A_52 = arith.muli %mul3A_31, %mul3A_51 : i32
      %add3A_53 = arith.addi %mul3A_6, %mul3A_52 : i32
      %dma_wait3A_54 = tpu.memref_slice %arg4[%add3A_53] : memref<327680xi32, #tpu.memory_space<hbm>> -> memref<128xi32, #tpu.memory_space<hbm>>
      %dma_wait3A_55 = tpu.memref_slice %arg4[%add3A_53] : memref<327680xi32, #tpu.memory_space<hbm>> -> memref<128xi32, #tpu.memory_space<hbm>>
      tpu.wait_dma2 semaphore(%arg14 : memref<!tpu.dma_semaphore, #tpu.memory_space<semaphore_mem>>) src(%dma_wait3A_55 : memref<128xi32, #tpu.memory_space<hbm>>) dst(%arg8 : memref<128xi32, #tpu.memory_space<vmem>>)
      %dma_start3A_56 = arith.constant 0 : i32
      %dma_start3A_57 = arith.constant 0 : i32
      %dma_start3A_58 = tpu.memref_slice %arg2[%dma_start3A_56, %dma_start3A_57] : memref<10112x128xf32, #tpu.memory_space<hbm>> -> memref<10112x128xf32, #tpu.memory_space<hbm>>
      tpu.enqueue_indirect_dma source(%dma_start3A_58 : memref<10112x128xf32, #tpu.memory_space<hbm>>) target(%arg11 : memref<128x128xf32, #tpu.memory_space<vmem>>) offsets(%arg7 : memref<128xi32, #tpu.memory_space<vmem>>) semaphore(%arg16 : memref<!tpu.dma_semaphore, #tpu.memory_space<semaphore_mem>>)
      %dma_wait3A_59 = arith.constant 0 : i32
      %dma_wait3A_60 = arith.constant 0 : i32
      %dma_wait3A_61 = tpu.memref_slice %arg2[%dma_wait3A_59, %dma_wait3A_60] : memref<10112x128xf32, #tpu.memory_space<hbm>> -> memref<10112x128xf32, #tpu.memory_space<hbm>>
      tpu.wait_indirect_dma semaphore(%arg16 : memref<!tpu.dma_semaphore, #tpu.memory_space<semaphore_mem>>) src(%dma_wait3A_61 : memref<10112x128xf32, #tpu.memory_space<hbm>>) dst(%arg11 : memref<128x128xf32, #tpu.memory_space<vmem>>)
      %dma_start3A_62 = arith.constant 0 : i32
      %dma_start3A_63 = arith.constant 0 : i32
      %dma_start3A_64 = tpu.memref_slice %arg13[%dma_start3A_62, %dma_start3A_63] : memref<10112x128xf32, #tpu.memory_space<vmem_shared>> -> memref<10112x128xf32, #tpu.memory_space<vmem_shared>>
      tpu.enqueue_indirect_dma source(%arg11 : memref<128x128xf32, #tpu.memory_space<vmem>>) target(%dma_start3A_64 : memref<10112x128xf32, #tpu.memory_space<vmem_shared>>) offsets(%arg8 : memref<128xi32, #tpu.memory_space<vmem>>) semaphore(%arg17 : memref<!tpu.dma_semaphore, #tpu.memory_space<semaphore_mem>>) {add = true}
      %mul3A_65 = arith.constant 128 : i32
      %mul3A_66 = arith.muli %add3A_33, %mul3A_65 : i32
      %add3A_67 = arith.addi %mul3A_6, %mul3A_66 : i32
      %dma_wait3A_68 = tpu.memref_slice %arg3[%add3A_67] : memref<327680xi32, #tpu.memory_space<hbm>> -> memref<128xi32, #tpu.memory_space<hbm>>
      %dma_wait3A_69 = tpu.memref_slice %arg3[%add3A_67] : memref<327680xi32, #tpu.memory_space<hbm>> -> memref<128xi32, #tpu.memory_space<hbm>>
      tpu.wait_dma2 semaphore(%arg15 : memref<!tpu.dma_semaphore, #tpu.memory_space<semaphore_mem>>) src(%dma_wait3A_69 : memref<128xi32, #tpu.memory_space<hbm>>) dst(%arg9 : memref<128xi32, #tpu.memory_space<vmem>>)
      %mul3A_70 = arith.constant 128 : i32
      %mul3A_71 = arith.muli %add3A_33, %mul3A_70 : i32
      %add3A_72 = arith.addi %mul3A_6, %mul3A_71 : i32
      %dma_wait3A_73 = tpu.memref_slice %arg4[%add3A_72] : memref<327680xi32, #tpu.memory_space<hbm>> -> memref<128xi32, #tpu.memory_space<hbm>>
      %dma_wait3A_74 = tpu.memref_slice %arg4[%add3A_72] : memref<327680xi32, #tpu.memory_space<hbm>> -> memref<128xi32, #tpu.memory_space<hbm>>
      tpu.wait_dma2 semaphore(%arg15 : memref<!tpu.dma_semaphore, #tpu.memory_space<semaphore_mem>>) src(%dma_wait3A_74 : memref<128xi32, #tpu.memory_space<hbm>>) dst(%arg10 : memref<128xi32, #tpu.memory_space<vmem>>)
      %dma_start3A_75 = arith.constant 0 : i32
      %dma_start3A_76 = arith.constant 0 : i32
      %dma_start3A_77 = tpu.memref_slice %arg2[%dma_start3A_75, %dma_start3A_76] : memref<10112x128xf32, #tpu.memory_space<hbm>> -> memref<10112x128xf32, #tpu.memory_space<hbm>>
      tpu.enqueue_indirect_dma source(%dma_start3A_77 : memref<10112x128xf32, #tpu.memory_space<hbm>>) target(%arg12 : memref<128x128xf32, #tpu.memory_space<vmem>>) offsets(%arg9 : memref<128xi32, #tpu.memory_space<vmem>>) semaphore(%arg16 : memref<!tpu.dma_semaphore, #tpu.memory_space<semaphore_mem>>)
      %dma_wait3A_78 = arith.constant 0 : i32
      %dma_wait3A_79 = arith.constant 0 : i32
      %dma_wait3A_80 = tpu.memref_slice %arg2[%dma_wait3A_78, %dma_wait3A_79] : memref<10112x128xf32, #tpu.memory_space<hbm>> -> memref<10112x128xf32, #tpu.memory_space<hbm>>
      tpu.wait_indirect_dma semaphore(%arg16 : memref<!tpu.dma_semaphore, #tpu.memory_space<semaphore_mem>>) src(%dma_wait3A_80 : memref<10112x128xf32, #tpu.memory_space<hbm>>) dst(%arg12 : memref<128x128xf32, #tpu.memory_space<vmem>>)
      %dma_wait3A_81 = arith.constant 0 : i32
      %dma_wait3A_82 = arith.constant 0 : i32
      %dma_wait3A_83 = tpu.memref_slice %arg13[%dma_wait3A_81, %dma_wait3A_82] : memref<10112x128xf32, #tpu.memory_space<vmem_shared>> -> memref<10112x128xf32, #tpu.memory_space<vmem_shared>>
      tpu.wait_indirect_dma semaphore(%arg17 : memref<!tpu.dma_semaphore, #tpu.memory_space<semaphore_mem>>) src(%arg11 : memref<128x128xf32, #tpu.memory_space<vmem>>) dst(%dma_wait3A_83 : memref<10112x128xf32, #tpu.memory_space<vmem_shared>>)
      %add3A_84 = arith.constant 1 : i32
      %add3A_85 = arith.addi %scan3A_29, %add3A_84 : i32
      %lt3A = arith.constant 40 : i32
      %lt3A_86 = arith.cmpi slt, %add3A_85, %lt3A : i32
      %convert_element_type3A_87 = arith.extui %lt3A_86 : i1 to i32
      %cond3A_88 = arith.constant 0 : i32
      %cond3A_89 = arith.cmpi ne, %convert_element_type3A_87, %cond3A_88 : i32
      scf.if %cond3A_89 {
        %add3A_93 = arith.constant 2 : i32
        %add3A_94 = arith.addi %mul3A_31, %add3A_93 : i32
        %mul3A_95 = arith.constant 128 : i32
        %mul3A_96 = arith.muli %add3A_94, %mul3A_95 : i32
        %add3A_97 = arith.addi %mul3A_6, %mul3A_96 : i32
        %dma_start3A_98 = tpu.memref_slice %arg3[%add3A_97] : memref<327680xi32, #tpu.memory_space<hbm>> -> memref<128xi32, #tpu.memory_space<hbm>>
        %dma_start3A_99 = tpu.memref_slice %arg3[%add3A_97] : memref<327680xi32, #tpu.memory_space<hbm>> -> memref<128xi32, #tpu.memory_space<hbm>>
        tpu.enqueue_dma source(%dma_start3A_99 : memref<128xi32, #tpu.memory_space<hbm>>) target(%arg7 : memref<128xi32, #tpu.memory_space<vmem>>) target_semaphore(%arg14 : memref<!tpu.dma_semaphore, #tpu.memory_space<semaphore_mem>>)
        %mul3A_100 = arith.constant 128 : i32
        %mul3A_101 = arith.muli %add3A_94, %mul3A_100 : i32
        %add3A_102 = arith.addi %mul3A_6, %mul3A_101 : i32
        %dma_start3A_103 = tpu.memref_slice %arg4[%add3A_102] : memref<327680xi32, #tpu.memory_space<hbm>> -> memref<128xi32, #tpu.memory_space<hbm>>
        %dma_start3A_104 = tpu.memref_slice %arg4[%add3A_102] : memref<327680xi32, #tpu.memory_space<hbm>> -> memref<128xi32, #tpu.memory_space<hbm>>
        tpu.enqueue_dma source(%dma_start3A_104 : memref<128xi32, #tpu.memory_space<hbm>>) target(%arg8 : memref<128xi32, #tpu.memory_space<vmem>>) target_semaphore(%arg14 : memref<!tpu.dma_semaphore, #tpu.memory_space<semaphore_mem>>)
      } else {
      }
      %dma_start3A_90 = arith.constant 0 : i32
      %dma_start3A_91 = arith.constant 0 : i32
      %dma_start3A_92 = tpu.memref_slice %arg13[%dma_start3A_90, %dma_start3A_91] : memref<10112x128xf32, #tpu.memory_space<vmem_shared>> -> memref<10112x128xf32, #tpu.memory_space<vmem_shared>>
      tpu.enqueue_indirect_dma source(%arg12 : memref<128x128xf32, #tpu.memory_space<vmem>>) target(%dma_start3A_92 : memref<10112x128xf32, #tpu.memory_space<vmem_shared>>) offsets(%arg10 : memref<128xi32, #tpu.memory_space<vmem>>) semaphore(%arg18 : memref<!tpu.dma_semaphore, #tpu.memory_space<semaphore_mem>>) {add = true}
    }
    %scan3A_18 = arith.constant 40 : i32
    %dma_wait3A = arith.constant 0 : i32
    %dma_wait3A_19 = arith.constant 0 : i32
    %dma_wait3A_20 = tpu.memref_slice %arg13[%dma_wait3A, %dma_wait3A_19] : memref<10112x128xf32, #tpu.memory_space<vmem_shared>> -> memref<10112x128xf32, #tpu.memory_space<vmem_shared>>
    tpu.wait_indirect_dma semaphore(%arg18 : memref<!tpu.dma_semaphore, #tpu.memory_space<semaphore_mem>>) src(%arg12 : memref<128x128xf32, #tpu.memory_space<vmem>>) dst(%dma_wait3A_20 : memref<10112x128xf32, #tpu.memory_space<vmem_shared>>)
    %barrier3A_21 = arith.constant 0 : index
    tpu.barrier barrier_id(%barrier3A_21)
    %mul3A_22 = arith.constant 632 : i32
    %mul3A_23 = arith.muli %arg1, %mul3A_22 : i32
    %mul3A_24 = arith.constant 10112 : i32
    %mul3A_25 = arith.muli %arg0, %mul3A_24 : i32
    %mul3A_26 = arith.constant 632 : i32
    %mul3A_27 = arith.muli %arg1, %mul3A_26 : i32
    %add3A_28 = arith.addi %mul3A_25, %mul3A_27 : i32
    "tpu.region"() ({
      %run_scoped3A = tpu.sem_alloc : memref<!tpu.dma_semaphore, #tpu.memory_space<semaphore_mem>>
      %dma_start3A_29 = arith.constant 0 : i32
      %dma_start3A_30 = tpu.memref_slice %arg6[%add3A_28, %dma_start3A_29] : memref<20224x128xf32, #tpu.memory_space<hbm>> -> memref<632x128xf32, #tpu.memory_space<hbm>>
      %dma_start3A_31 = arith.constant 0 : i32
      %dma_start3A_32 = tpu.memref_slice %arg13[%mul3A_23, %dma_start3A_31] : memref<10112x128xf32, #tpu.memory_space<vmem_shared>> -> memref<632x128xf32, #tpu.memory_space<vmem_shared>>
      tpu.enqueue_dma source(%dma_start3A_32 : memref<632x128xf32, #tpu.memory_space<vmem_shared>>) target(%dma_start3A_30 : memref<632x128xf32, #tpu.memory_space<hbm>>) target_semaphore(%run_scoped3A : memref<!tpu.dma_semaphore, #tpu.memory_space<semaphore_mem>>)
      %dma_wait3A_33 = arith.constant 0 : i32
      %dma_wait3A_34 = tpu.memref_slice %arg6[%add3A_28, %dma_wait3A_33] : memref<20224x128xf32, #tpu.memory_space<hbm>> -> memref<632x128xf32, #tpu.memory_space<hbm>>
      %dma_wait3A_35 = arith.constant 0 : i32
      %dma_wait3A_36 = tpu.memref_slice %arg13[%mul3A_23, %dma_wait3A_35] : memref<10112x128xf32, #tpu.memory_space<vmem_shared>> -> memref<632x128xf32, #tpu.memory_space<vmem_shared>>
      tpu.wait_dma2 semaphore(%run_scoped3A : memref<!tpu.dma_semaphore, #tpu.memory_space<semaphore_mem>>) src(%dma_wait3A_36 : memref<632x128xf32, #tpu.memory_space<vmem_shared>>) dst(%dma_wait3A_34 : memref<632x128xf32, #tpu.memory_space<hbm>>)
      tpu.yield
    }) : () -> ()
    return
  }
}

#map = affine_map<(d0, d1) -> (0, 0)>
#map1 = affine_map<(d0, d1) -> (0)>
module attributes {stable_mosaic.version = 14 : i64} {
  func.func @_sc_aggregate(%arg0: i32, %arg1: i32, %arg2: memref<10112x128xf32, #tpu.memory_space<hbm>>, %arg3: memref<327680xi32, #tpu.memory_space<hbm>>, %arg4: memref<327680xi32, #tpu.memory_space<hbm>>, %arg5: memref<10112x128xf32, #tpu.memory_space<hbm>>, %arg6: memref<20224x128xf32, #tpu.memory_space<hbm>>, %arg7: memref<128xi32, #tpu.memory_space<vmem>>, %arg8: memref<128xi32, #tpu.memory_space<vmem>>, %arg9: memref<128xi32, #tpu.memory_space<vmem>>, %arg10: memref<128xi32, #tpu.memory_space<vmem>>, %arg11: memref<128x128xf32, #tpu.memory_space<vmem>>, %arg12: memref<128x128xf32, #tpu.memory_space<vmem>>, %arg13: memref<10112x128xf32, #tpu.memory_space<vmem_shared>>, %arg14: memref<!tpu.dma_semaphore, #tpu.memory_space<semaphore_mem>>, %arg15: memref<!tpu.dma_semaphore, #tpu.memory_space<semaphore_mem>>, %arg16: memref<!tpu.dma_semaphore, #tpu.memory_space<semaphore_mem>>, %arg17: memref<!tpu.dma_semaphore, #tpu.memory_space<semaphore_mem>>, %arg18: memref<!tpu.dma_semaphore, #tpu.memory_space<semaphore_mem>>) attributes {dimension_semantics = [#tpu.dimension_semantics<core_parallel>, #tpu.dimension_semantics<subcore_parallel>], iteration_bounds = array<i64: 2, 16>, scalar_prefetch = 0 : i64, scratch_operands = 12 : i64, tpu.core_type = #tpu.core_type<sc_vector_subcore>, window_params = [{transform_indices = #map}, {transform_indices = #map1}, {transform_indices = #map1}, {transform_indices = #map}, {transform_indices = #map}]} {
    %mul3A = arith.constant 632 : i32
    %mul3A_0 = arith.muli %arg1, %mul3A : i32
    %mul3A_1 = arith.constant 632 : i32
    %mul3A_2 = arith.muli %arg1, %mul3A_1 : i32
    "tpu.region"() ({
      %run_scoped3A = tpu.sem_alloc : memref<!tpu.dma_semaphore, #tpu.memory_space<semaphore_mem>>
      %dma_start3A_29 = arith.constant 0 : i32
      %dma_start3A_30 = tpu.memref_slice %arg13[%mul3A_2, %dma_start3A_29] : memref<10112x128xf32, #tpu.memory_space<vmem_shared>> -> memref<632x128xf32, #tpu.memory_space<vmem_shared>>
      %dma_start3A_31 = arith.constant 0 : i32
      %dma_start3A_32 = tpu.memref_slice %arg5[%mul3A_0, %dma_start3A_31] : memref<10112x128xf32, #tpu.memory_space<hbm>> -> memref<632x128xf32, #tpu.memory_space<hbm>>
      tpu.enqueue_dma source(%dma_start3A_32 : memref<632x128xf32, #tpu.memory_space<hbm>>) target(%dma_start3A_30 : memref<632x128xf32, #tpu.memory_space<vmem_shared>>) target_semaphore(%run_scoped3A : memref<!tpu.dma_semaphore, #tpu.memory_space<semaphore_mem>>)
      %dma_wait3A_33 = arith.constant 0 : i32
      %dma_wait3A_34 = tpu.memref_slice %arg13[%mul3A_2, %dma_wait3A_33] : memref<10112x128xf32, #tpu.memory_space<vmem_shared>> -> memref<632x128xf32, #tpu.memory_space<vmem_shared>>
      %dma_wait3A_35 = arith.constant 0 : i32
      %dma_wait3A_36 = tpu.memref_slice %arg5[%mul3A_0, %dma_wait3A_35] : memref<10112x128xf32, #tpu.memory_space<hbm>> -> memref<632x128xf32, #tpu.memory_space<hbm>>
      tpu.wait_dma2 semaphore(%run_scoped3A : memref<!tpu.dma_semaphore, #tpu.memory_space<semaphore_mem>>) src(%dma_wait3A_36 : memref<632x128xf32, #tpu.memory_space<hbm>>) dst(%dma_wait3A_34 : memref<632x128xf32, #tpu.memory_space<vmem_shared>>)
      tpu.yield
    }) : () -> ()
    %barrier3A = arith.constant 0 : index
    tpu.barrier barrier_id(%barrier3A)
    %mul3A_3 = arith.constant 2 : i32
    %mul3A_4 = arith.muli %arg1, %mul3A_3 : i32
    %add3A = arith.addi %mul3A_4, %arg0 : i32
    %mul3A_5 = arith.constant 10240 : i32
    %mul3A_6 = arith.muli %add3A, %mul3A_5 : i32
    %add3A_7 = arith.constant 0 : i32
    %add3A_8 = arith.addi %mul3A_6, %add3A_7 : i32
    %dma_start3A = tpu.memref_slice %arg3[%add3A_8] : memref<327680xi32, #tpu.memory_space<hbm>> -> memref<128xi32, #tpu.memory_space<hbm>>
    %dma_start3A_9 = tpu.memref_slice %arg3[%add3A_8] : memref<327680xi32, #tpu.memory_space<hbm>> -> memref<128xi32, #tpu.memory_space<hbm>>
    tpu.enqueue_dma source(%dma_start3A_9 : memref<128xi32, #tpu.memory_space<hbm>>) target(%arg7 : memref<128xi32, #tpu.memory_space<vmem>>) target_semaphore(%arg14 : memref<!tpu.dma_semaphore, #tpu.memory_space<semaphore_mem>>)
    %add3A_10 = arith.constant 0 : i32
    %add3A_11 = arith.addi %mul3A_6, %add3A_10 : i32
    %dma_start3A_12 = tpu.memref_slice %arg4[%add3A_11] : memref<327680xi32, #tpu.memory_space<hbm>> -> memref<128xi32, #tpu.memory_space<hbm>>
    %dma_start3A_13 = tpu.memref_slice %arg4[%add3A_11] : memref<327680xi32, #tpu.memory_space<hbm>> -> memref<128xi32, #tpu.memory_space<hbm>>
    tpu.enqueue_dma source(%dma_start3A_13 : memref<128xi32, #tpu.memory_space<hbm>>) target(%arg8 : memref<128xi32, #tpu.memory_space<vmem>>) target_semaphore(%arg14 : memref<!tpu.dma_semaphore, #tpu.memory_space<semaphore_mem>>)
    %scan3A = arith.constant 0 : i32
    %scan3A_14 = arith.constant 0 : i32
    %scan3A_15 = arith.constant 40 : i32
    %scan3A_16 = arith.addi %scan3A_14, %scan3A_15 : i32
    %scan3A_17 = arith.constant 1 : i32
    scf.for %scan3A_29 = %scan3A_14 to %scan3A_16 step %scan3A_17  : i32 {
      %mul3A_30 = arith.constant 2 : i32
      %mul3A_31 = arith.muli %mul3A_30, %scan3A_29 : i32
      %add3A_32 = arith.constant 1 : i32
      %add3A_33 = arith.addi %mul3A_31, %add3A_32 : i32
      %gt3A = arith.constant 0 : i32
      %gt3A_34 = arith.cmpi sgt, %scan3A_29, %gt3A : i32
      %convert_element_type3A = arith.extui %gt3A_34 : i1 to i32
      %cond3A = arith.constant 0 : i32
      %cond3A_35 = arith.cmpi ne, %convert_element_type3A, %cond3A : i32
      scf.if %cond3A_35 {
        %dma_wait3A_93 = arith.constant 0 : i32
        %dma_wait3A_94 = arith.constant 0 : i32
        %dma_wait3A_95 = tpu.memref_slice %arg13[%dma_wait3A_93, %dma_wait3A_94] : memref<10112x128xf32, #tpu.memory_space<vmem_shared>> -> memref<10112x128xf32, #tpu.memory_space<vmem_shared>>
        tpu.wait_indirect_dma semaphore(%arg18 : memref<!tpu.dma_semaphore, #tpu.memory_space<semaphore_mem>>) src(%arg12 : memref<128x128xf32, #tpu.memory_space<vmem>>) dst(%dma_wait3A_95 : memref<10112x128xf32, #tpu.memory_space<vmem_shared>>)
      } else {
      }
      %mul3A_36 = arith.constant 128 : i32
      %mul3A_37 = arith.muli %add3A_33, %mul3A_36 : i32
      %add3A_38 = arith.addi %mul3A_6, %mul3A_37 : i32
      %dma_start3A_39 = tpu.memref_slice %arg3[%add3A_38] : memref<327680xi32, #tpu.memory_space<hbm>> -> memref<128xi32, #tpu.memory_space<hbm>>
      %dma_start3A_40 = tpu.memref_slice %arg3[%add3A_38] : memref<327680xi32, #tpu.memory_space<hbm>> -> memref<128xi32, #tpu.memory_space<hbm>>
      tpu.enqueue_dma source(%dma_start3A_40 : memref<128xi32, #tpu.memory_space<hbm>>) target(%arg9 : memref<128xi32, #tpu.memory_space<vmem>>) target_semaphore(%arg15 : memref<!tpu.dma_semaphore, #tpu.memory_space<semaphore_mem>>)
      %mul3A_41 = arith.constant 128 : i32
      %mul3A_42 = arith.muli %add3A_33, %mul3A_41 : i32
      %add3A_43 = arith.addi %mul3A_6, %mul3A_42 : i32
      %dma_start3A_44 = tpu.memref_slice %arg4[%add3A_43] : memref<327680xi32, #tpu.memory_space<hbm>> -> memref<128xi32, #tpu.memory_space<hbm>>
      %dma_start3A_45 = tpu.memref_slice %arg4[%add3A_43] : memref<327680xi32, #tpu.memory_space<hbm>> -> memref<128xi32, #tpu.memory_space<hbm>>
      tpu.enqueue_dma source(%dma_start3A_45 : memref<128xi32, #tpu.memory_space<hbm>>) target(%arg10 : memref<128xi32, #tpu.memory_space<vmem>>) target_semaphore(%arg15 : memref<!tpu.dma_semaphore, #tpu.memory_space<semaphore_mem>>)
      %mul3A_46 = arith.constant 128 : i32
      %mul3A_47 = arith.muli %mul3A_31, %mul3A_46 : i32
      %add3A_48 = arith.addi %mul3A_6, %mul3A_47 : i32
      %dma_wait3A_49 = tpu.memref_slice %arg3[%add3A_48] : memref<327680xi32, #tpu.memory_space<hbm>> -> memref<128xi32, #tpu.memory_space<hbm>>
      %dma_wait3A_50 = tpu.memref_slice %arg3[%add3A_48] : memref<327680xi32, #tpu.memory_space<hbm>> -> memref<128xi32, #tpu.memory_space<hbm>>
      tpu.wait_dma2 semaphore(%arg14 : memref<!tpu.dma_semaphore, #tpu.memory_space<semaphore_mem>>) src(%dma_wait3A_50 : memref<128xi32, #tpu.memory_space<hbm>>) dst(%arg7 : memref<128xi32, #tpu.memory_space<vmem>>)
      %mul3A_51 = arith.constant 128 : i32
      %mul3A_52 = arith.muli %mul3A_31, %mul3A_51 : i32
      %add3A_53 = arith.addi %mul3A_6, %mul3A_52 : i32
      %dma_wait3A_54 = tpu.memref_slice %arg4[%add3A_53] : memref<327680xi32, #tpu.memory_space<hbm>> -> memref<128xi32, #tpu.memory_space<hbm>>
      %dma_wait3A_55 = tpu.memref_slice %arg4[%add3A_53] : memref<327680xi32, #tpu.memory_space<hbm>> -> memref<128xi32, #tpu.memory_space<hbm>>
      tpu.wait_dma2 semaphore(%arg14 : memref<!tpu.dma_semaphore, #tpu.memory_space<semaphore_mem>>) src(%dma_wait3A_55 : memref<128xi32, #tpu.memory_space<hbm>>) dst(%arg8 : memref<128xi32, #tpu.memory_space<vmem>>)
      %dma_start3A_56 = arith.constant 0 : i32
      %dma_start3A_57 = arith.constant 0 : i32
      %dma_start3A_58 = tpu.memref_slice %arg2[%dma_start3A_56, %dma_start3A_57] : memref<10112x128xf32, #tpu.memory_space<hbm>> -> memref<10112x128xf32, #tpu.memory_space<hbm>>
      tpu.enqueue_indirect_dma source(%dma_start3A_58 : memref<10112x128xf32, #tpu.memory_space<hbm>>) target(%arg11 : memref<128x128xf32, #tpu.memory_space<vmem>>) offsets(%arg7 : memref<128xi32, #tpu.memory_space<vmem>>) semaphore(%arg16 : memref<!tpu.dma_semaphore, #tpu.memory_space<semaphore_mem>>)
      %dma_wait3A_59 = arith.constant 0 : i32
      %dma_wait3A_60 = arith.constant 0 : i32
      %dma_wait3A_61 = tpu.memref_slice %arg2[%dma_wait3A_59, %dma_wait3A_60] : memref<10112x128xf32, #tpu.memory_space<hbm>> -> memref<10112x128xf32, #tpu.memory_space<hbm>>
      tpu.wait_indirect_dma semaphore(%arg16 : memref<!tpu.dma_semaphore, #tpu.memory_space<semaphore_mem>>) src(%dma_wait3A_61 : memref<10112x128xf32, #tpu.memory_space<hbm>>) dst(%arg11 : memref<128x128xf32, #tpu.memory_space<vmem>>)
      %dma_start3A_62 = arith.constant 0 : i32
      %dma_start3A_63 = arith.constant 0 : i32
      %dma_start3A_64 = tpu.memref_slice %arg13[%dma_start3A_62, %dma_start3A_63] : memref<10112x128xf32, #tpu.memory_space<vmem_shared>> -> memref<10112x128xf32, #tpu.memory_space<vmem_shared>>
      tpu.enqueue_indirect_dma source(%arg11 : memref<128x128xf32, #tpu.memory_space<vmem>>) target(%dma_start3A_64 : memref<10112x128xf32, #tpu.memory_space<vmem_shared>>) offsets(%arg8 : memref<128xi32, #tpu.memory_space<vmem>>) semaphore(%arg17 : memref<!tpu.dma_semaphore, #tpu.memory_space<semaphore_mem>>) {add = true}
      %mul3A_65 = arith.constant 128 : i32
      %mul3A_66 = arith.muli %add3A_33, %mul3A_65 : i32
      %add3A_67 = arith.addi %mul3A_6, %mul3A_66 : i32
      %dma_wait3A_68 = tpu.memref_slice %arg3[%add3A_67] : memref<327680xi32, #tpu.memory_space<hbm>> -> memref<128xi32, #tpu.memory_space<hbm>>
      %dma_wait3A_69 = tpu.memref_slice %arg3[%add3A_67] : memref<327680xi32, #tpu.memory_space<hbm>> -> memref<128xi32, #tpu.memory_space<hbm>>
      tpu.wait_dma2 semaphore(%arg15 : memref<!tpu.dma_semaphore, #tpu.memory_space<semaphore_mem>>) src(%dma_wait3A_69 : memref<128xi32, #tpu.memory_space<hbm>>) dst(%arg9 : memref<128xi32, #tpu.memory_space<vmem>>)
      %mul3A_70 = arith.constant 128 : i32
      %mul3A_71 = arith.muli %add3A_33, %mul3A_70 : i32
      %add3A_72 = arith.addi %mul3A_6, %mul3A_71 : i32
      %dma_wait3A_73 = tpu.memref_slice %arg4[%add3A_72] : memref<327680xi32, #tpu.memory_space<hbm>> -> memref<128xi32, #tpu.memory_space<hbm>>
      %dma_wait3A_74 = tpu.memref_slice %arg4[%add3A_72] : memref<327680xi32, #tpu.memory_space<hbm>> -> memref<128xi32, #tpu.memory_space<hbm>>
      tpu.wait_dma2 semaphore(%arg15 : memref<!tpu.dma_semaphore, #tpu.memory_space<semaphore_mem>>) src(%dma_wait3A_74 : memref<128xi32, #tpu.memory_space<hbm>>) dst(%arg10 : memref<128xi32, #tpu.memory_space<vmem>>)
      %dma_start3A_75 = arith.constant 0 : i32
      %dma_start3A_76 = arith.constant 0 : i32
      %dma_start3A_77 = tpu.memref_slice %arg2[%dma_start3A_75, %dma_start3A_76] : memref<10112x128xf32, #tpu.memory_space<hbm>> -> memref<10112x128xf32, #tpu.memory_space<hbm>>
      tpu.enqueue_indirect_dma source(%dma_start3A_77 : memref<10112x128xf32, #tpu.memory_space<hbm>>) target(%arg12 : memref<128x128xf32, #tpu.memory_space<vmem>>) offsets(%arg9 : memref<128xi32, #tpu.memory_space<vmem>>) semaphore(%arg16 : memref<!tpu.dma_semaphore, #tpu.memory_space<semaphore_mem>>)
      %dma_wait3A_78 = arith.constant 0 : i32
      %dma_wait3A_79 = arith.constant 0 : i32
      %dma_wait3A_80 = tpu.memref_slice %arg2[%dma_wait3A_78, %dma_wait3A_79] : memref<10112x128xf32, #tpu.memory_space<hbm>> -> memref<10112x128xf32, #tpu.memory_space<hbm>>
      tpu.wait_indirect_dma semaphore(%arg16 : memref<!tpu.dma_semaphore, #tpu.memory_space<semaphore_mem>>) src(%dma_wait3A_80 : memref<10112x128xf32, #tpu.memory_space<hbm>>) dst(%arg12 : memref<128x128xf32, #tpu.memory_space<vmem>>)
      %dma_wait3A_81 = arith.constant 0 : i32
      %dma_wait3A_82 = arith.constant 0 : i32
      %dma_wait3A_83 = tpu.memref_slice %arg13[%dma_wait3A_81, %dma_wait3A_82] : memref<10112x128xf32, #tpu.memory_space<vmem_shared>> -> memref<10112x128xf32, #tpu.memory_space<vmem_shared>>
      tpu.wait_indirect_dma semaphore(%arg17 : memref<!tpu.dma_semaphore, #tpu.memory_space<semaphore_mem>>) src(%arg11 : memref<128x128xf32, #tpu.memory_space<vmem>>) dst(%dma_wait3A_83 : memref<10112x128xf32, #tpu.memory_space<vmem_shared>>)
      %add3A_84 = arith.constant 1 : i32
      %add3A_85 = arith.addi %scan3A_29, %add3A_84 : i32
      %lt3A = arith.constant 40 : i32
      %lt3A_86 = arith.cmpi slt, %add3A_85, %lt3A : i32
      %convert_element_type3A_87 = arith.extui %lt3A_86 : i1 to i32
      %cond3A_88 = arith.constant 0 : i32
      %cond3A_89 = arith.cmpi ne, %convert_element_type3A_87, %cond3A_88 : i32
      scf.if %cond3A_89 {
        %add3A_93 = arith.constant 2 : i32
        %add3A_94 = arith.addi %mul3A_31, %add3A_93 : i32
        %mul3A_95 = arith.constant 128 : i32
        %mul3A_96 = arith.muli %add3A_94, %mul3A_95 : i32
        %add3A_97 = arith.addi %mul3A_6, %mul3A_96 : i32
        %dma_start3A_98 = tpu.memref_slice %arg3[%add3A_97] : memref<327680xi32, #tpu.memory_space<hbm>> -> memref<128xi32, #tpu.memory_space<hbm>>
        %dma_start3A_99 = tpu.memref_slice %arg3[%add3A_97] : memref<327680xi32, #tpu.memory_space<hbm>> -> memref<128xi32, #tpu.memory_space<hbm>>
        tpu.enqueue_dma source(%dma_start3A_99 : memref<128xi32, #tpu.memory_space<hbm>>) target(%arg7 : memref<128xi32, #tpu.memory_space<vmem>>) target_semaphore(%arg14 : memref<!tpu.dma_semaphore, #tpu.memory_space<semaphore_mem>>)
        %mul3A_100 = arith.constant 128 : i32
        %mul3A_101 = arith.muli %add3A_94, %mul3A_100 : i32
        %add3A_102 = arith.addi %mul3A_6, %mul3A_101 : i32
        %dma_start3A_103 = tpu.memref_slice %arg4[%add3A_102] : memref<327680xi32, #tpu.memory_space<hbm>> -> memref<128xi32, #tpu.memory_space<hbm>>
        %dma_start3A_104 = tpu.memref_slice %arg4[%add3A_102] : memref<327680xi32, #tpu.memory_space<hbm>> -> memref<128xi32, #tpu.memory_space<hbm>>
        tpu.enqueue_dma source(%dma_start3A_104 : memref<128xi32, #tpu.memory_space<hbm>>) target(%arg8 : memref<128xi32, #tpu.memory_space<vmem>>) target_semaphore(%arg14 : memref<!tpu.dma_semaphore, #tpu.memory_space<semaphore_mem>>)
      } else {
      }
      %dma_start3A_90 = arith.constant 0 : i32
      %dma_start3A_91 = arith.constant 0 : i32
      %dma_start3A_92 = tpu.memref_slice %arg13[%dma_start3A_90, %dma_start3A_91] : memref<10112x128xf32, #tpu.memory_space<vmem_shared>> -> memref<10112x128xf32, #tpu.memory_space<vmem_shared>>
      tpu.enqueue_indirect_dma source(%arg12 : memref<128x128xf32, #tpu.memory_space<vmem>>) target(%dma_start3A_92 : memref<10112x128xf32, #tpu.memory_space<vmem_shared>>) offsets(%arg10 : memref<128xi32, #tpu.memory_space<vmem>>) semaphore(%arg18 : memref<!tpu.dma_semaphore, #tpu.memory_space<semaphore_mem>>) {add = true}
    }
    %scan3A_18 = arith.constant 40 : i32
    %dma_wait3A = arith.constant 0 : i32
    %dma_wait3A_19 = arith.constant 0 : i32
    %dma_wait3A_20 = tpu.memref_slice %arg13[%dma_wait3A, %dma_wait3A_19] : memref<10112x128xf32, #tpu.memory_space<vmem_shared>> -> memref<10112x128xf32, #tpu.memory_space<vmem_shared>>
    tpu.wait_indirect_dma semaphore(%arg18 : memref<!tpu.dma_semaphore, #tpu.memory_space<semaphore_mem>>) src(%arg12 : memref<128x128xf32, #tpu.memory_space<vmem>>) dst(%dma_wait3A_20 : memref<10112x128xf32, #tpu.memory_space<vmem_shared>>)
    %barrier3A_21 = arith.constant 0 : index
    tpu.barrier barrier_id(%barrier3A_21)
    %mul3A_22 = arith.constant 632 : i32
    %mul3A_23 = arith.muli %arg1, %mul3A_22 : i32
    %mul3A_24 = arith.constant 10112 : i32
    %mul3A_25 = arith.muli %arg0, %mul3A_24 : i32
    %mul3A_26 = arith.constant 632 : i32
    %mul3A_27 = arith.muli %arg1, %mul3A_26 : i32
    %add3A_28 = arith.addi %mul3A_25, %mul3A_27 : i32
    "tpu.region"() ({
      %run_scoped3A = tpu.sem_alloc : memref<!tpu.dma_semaphore, #tpu.memory_space<semaphore_mem>>
      %dma_start3A_29 = arith.constant 0 : i32
      %dma_start3A_30 = tpu.memref_slice %arg6[%add3A_28, %dma_start3A_29] : memref<20224x128xf32, #tpu.memory_space<hbm>> -> memref<632x128xf32, #tpu.memory_space<hbm>>
      %dma_start3A_31 = arith.constant 0 : i32
      %dma_start3A_32 = tpu.memref_slice %arg13[%mul3A_23, %dma_start3A_31] : memref<10112x128xf32, #tpu.memory_space<vmem_shared>> -> memref<632x128xf32, #tpu.memory_space<vmem_shared>>
      tpu.enqueue_dma source(%dma_start3A_32 : memref<632x128xf32, #tpu.memory_space<vmem_shared>>) target(%dma_start3A_30 : memref<632x128xf32, #tpu.memory_space<hbm>>) target_semaphore(%run_scoped3A : memref<!tpu.dma_semaphore, #tpu.memory_space<semaphore_mem>>)
      %dma_wait3A_33 = arith.constant 0 : i32
      %dma_wait3A_34 = tpu.memref_slice %arg6[%add3A_28, %dma_wait3A_33] : memref<20224x128xf32, #tpu.memory_space<hbm>> -> memref<632x128xf32, #tpu.memory_space<hbm>>
      %dma_wait3A_35 = arith.constant 0 : i32
      %dma_wait3A_36 = tpu.memref_slice %arg13[%mul3A_23, %dma_wait3A_35] : memref<10112x128xf32, #tpu.memory_space<vmem_shared>> -> memref<632x128xf32, #tpu.memory_space<vmem_shared>>
      tpu.wait_dma2 semaphore(%run_scoped3A : memref<!tpu.dma_semaphore, #tpu.memory_space<semaphore_mem>>) src(%dma_wait3A_36 : memref<632x128xf32, #tpu.memory_space<vmem_shared>>) dst(%dma_wait3A_34 : memref<632x128xf32, #tpu.memory_space<hbm>>)
      tpu.yield
    }) : () -> ()
    return
  }
}

module attributes {stable_mosaic.version = 14 : i64} {
  func.func @_mm_body(%arg0: i32, %arg1: memref<2528x128xf32, #tpu.memory_space<vmem>>, %arg2: memref<128x128xf32, #tpu.memory_space<vmem>>, %arg3: memref<2528x128xf32, #tpu.memory_space<vmem>>) attributes {dimension_semantics = [#tpu.dimension_semantics<arbitrary>], iteration_bounds = array<i64: 4>, scalar_prefetch = 0 : i64, scratch_operands = 0 : i64, tpu.core_type = #tpu.core_type<tc>, window_params = [{transform_indices = @transform_0, window_bounds = array<i64: 2528, 128>}, {pipeline_mode = #tpu.pipeline_mode<synchronous>, transform_indices = @transform_1, window_bounds = array<i64: 128, 128>}, {transform_indices = @transform_2, window_bounds = array<i64: 2528, 128>}]} {
    %get3A = arith.constant 0 : index
    %get3A_0 = arith.constant 0 : index
    %get3A_1 = vector.load %arg1[%get3A, %get3A_0] : memref<2528x128xf32, #tpu.memory_space<vmem>>, vector<2528x128xf32>
    %get3A_2 = arith.constant 0 : index
    %get3A_3 = arith.constant 0 : index
    %get3A_4 = vector.load %arg2[%get3A_2, %get3A_3] : memref<128x128xf32, #tpu.memory_space<vmem>>, vector<128x128xf32>
    %dot_general3A = arith.constant dense<0.000000e+00> : vector<2528x128xf32>
    %dot_general3A_5 = tpu.matmul %get3A_1, %get3A_4, %dot_general3A {dimension_numbers = #tpu.dot_dimension_numbers<[1], [0], [0], [1], [0, 0, 1, 1], [], []>, precision = #tpu.contract_precision<fp32>, transpose_lhs_hint = false} : vector<2528x128xf32>, vector<128x128xf32>, vector<2528x128xf32> -> vector<2528x128xf32>
    %swap3A = arith.constant 0 : index
    %swap3A_6 = arith.constant 0 : index
    %swap3A_7 = vector.load %arg3[%swap3A, %swap3A_6] : memref<2528x128xf32, #tpu.memory_space<vmem>>, vector<2528x128xf32>
    tpu.vector_store %arg3[%swap3A, %swap3A_6], %dot_general3A_5 {strides = array<i32>} : memref<2528x128xf32, #tpu.memory_space<vmem>>, vector<2528x128xf32>,
    return
  }
  func.func @transform_0(%arg0: i32) -> (i32, i32) {
    %c0_i32 = arith.constant 0 : i32
    %c0_i32_0 = arith.constant 0 : i32
    return %arg0, %c0_i32 : i32, i32
  }
  func.func @transform_1(%arg0: i32) -> (i32, i32) {
    %c0_i32 = arith.constant 0 : i32
    %c0_i32_0 = arith.constant 0 : i32
    %c0_i32_1 = arith.constant 0 : i32
    return %c0_i32, %c0_i32_0 : i32, i32
  }
  func.func @transform_2(%arg0: i32) -> (i32, i32) {
    %c0_i32 = arith.constant 0 : i32
    %c0_i32_0 = arith.constant 0 : i32
    return %arg0, %c0_i32 : i32, i32
  }
}

module attributes {stable_mosaic.version = 14 : i64} {
  func.func @_layer_body(%arg0: i32, %arg1: memref<2528x128xf32, #tpu.memory_space<vmem>>, %arg2: memref<2528x128xf32, #tpu.memory_space<vmem>>, %arg3: memref<1x128xf32, #tpu.memory_space<vmem>>, %arg4: memref<128x128xf32, #tpu.memory_space<vmem>>, %arg5: memref<2528x128xf32, #tpu.memory_space<vmem>>) attributes {dimension_semantics = [#tpu.dimension_semantics<arbitrary>], iteration_bounds = array<i64: 4>, scalar_prefetch = 0 : i64, scratch_operands = 0 : i64, tpu.core_type = #tpu.core_type<tc>, window_params = [{transform_indices = @transform_0, window_bounds = array<i64: 2528, 128>}, {transform_indices = @transform_1, window_bounds = array<i64: 2528, 128>}, {pipeline_mode = #tpu.pipeline_mode<synchronous>, transform_indices = @transform_2, window_bounds = array<i64: 1, 128>}, {pipeline_mode = #tpu.pipeline_mode<synchronous>, transform_indices = @transform_3, window_bounds = array<i64: 128, 128>}, {transform_indices = @transform_4, window_bounds = array<i64: 2528, 128>}]} {
    %get3A = arith.constant 0 : index
    %get3A_0 = arith.constant 0 : index
    %get3A_1 = vector.load %arg1[%get3A, %get3A_0] : memref<2528x128xf32, #tpu.memory_space<vmem>>, vector<2528x128xf32>
    %get3A_2 = arith.constant 0 : index
    %get3A_3 = arith.constant 0 : index
    %get3A_4 = vector.load %arg2[%get3A_2, %get3A_3] : memref<2528x128xf32, #tpu.memory_space<vmem>>, vector<2528x128xf32>
    %get3A_5 = arith.constant 0 : index
    %get3A_6 = arith.constant 0 : index
    %get3A_7 = vector.load %arg3[%get3A_5, %get3A_6] : memref<1x128xf32, #tpu.memory_space<vmem>>, vector<1x128xf32>
    %add3A = arith.addf %get3A_1, %get3A_4 : vector<2528x128xf32>
    %add3A_8 = vector.broadcast %get3A_7 : vector<1x128xf32> to vector<2528x128xf32>
    %add3A_9 = arith.addf %add3A, %add3A_8 : vector<2528x128xf32>
    %mul3A = arith.mulf %add3A_9, %add3A_9 : vector<2528x128xf32>
    %reduce_sum3A = arith.constant dense<0.000000e+00> : vector<2528xf32>
    %reduce_sum3A_10 = vector.multi_reduction <add>, %mul3A, %reduce_sum3A [1] : vector<2528x128xf32> to vector<2528xf32>
    %broadcast_in_dim3A = vector.shape_cast %reduce_sum3A_10 : vector<2528xf32> to vector<2528x1xf32>
    %sqrt3A = math.sqrt %broadcast_in_dim3A : vector<2528x1xf32>
    %max3A = arith.constant 9.99999996E-13 : f32
    %max3A_11 = vector.broadcast %max3A : f32 to vector<2528x1xf32>
    %max3A_12 = arith.maximumf %sqrt3A, %max3A_11 : vector<2528x1xf32>
    %div3A = vector.broadcast %max3A_12 : vector<2528x1xf32> to vector<2528x128xf32>
    %div3A_13 = arith.divf %add3A_9, %div3A : vector<2528x128xf32>
    %max3A_14 = arith.constant 0.000000e+00 : f32
    %max3A_15 = vector.broadcast %max3A_14 : f32 to vector<2528x128xf32>
    %max3A_16 = arith.maximumf %div3A_13, %max3A_15 : vector<2528x128xf32>
    %get3A_17 = arith.constant 0 : index
    %get3A_18 = arith.constant 0 : index
    %get3A_19 = vector.load %arg4[%get3A_17, %get3A_18] : memref<128x128xf32, #tpu.memory_space<vmem>>, vector<128x128xf32>
    %dot_general3A = arith.constant dense<0.000000e+00> : vector<2528x128xf32>
    %dot_general3A_20 = tpu.matmul %max3A_16, %get3A_19, %dot_general3A {dimension_numbers = #tpu.dot_dimension_numbers<[1], [0], [0], [1], [0, 0, 1, 1], [], []>, precision = #tpu.contract_precision<fp32>, transpose_lhs_hint = false} : vector<2528x128xf32>, vector<128x128xf32>, vector<2528x128xf32> -> vector<2528x128xf32>
    %swap3A = arith.constant 0 : index
    %swap3A_21 = arith.constant 0 : index
    %swap3A_22 = vector.load %arg5[%swap3A, %swap3A_21] : memref<2528x128xf32, #tpu.memory_space<vmem>>, vector<2528x128xf32>
    tpu.vector_store %arg5[%swap3A, %swap3A_21], %dot_general3A_20 {strides = array<i32>} : memref<2528x128xf32, #tpu.memory_space<vmem>>, vector<2528x128xf32>,
    return
  }
  func.func @transform_0(%arg0: i32) -> (i32, i32) {
    %c0_i32 = arith.constant 0 : i32
    %c0_i32_0 = arith.constant 0 : i32
    return %arg0, %c0_i32 : i32, i32
  }
  func.func @transform_1(%arg0: i32) -> (i32, i32) {
    %add3A = arith.constant 4 : i32
    %add3A_0 = arith.addi %arg0, %add3A : i32
    %c0_i32 = arith.constant 0 : i32
    %c0_i32_1 = arith.constant 0 : i32
    return %add3A_0, %c0_i32 : i32, i32
  }
  func.func @transform_2(%arg0: i32) -> (i32, i32) {
    %c0_i32 = arith.constant 0 : i32
    %c0_i32_0 = arith.constant 0 : i32
    %c0_i32_1 = arith.constant 0 : i32
    return %c0_i32, %c0_i32_0 : i32, i32
  }
  func.func @transform_3(%arg0: i32) -> (i32, i32) {
    %c0_i32 = arith.constant 0 : i32
    %c0_i32_0 = arith.constant 0 : i32
    %c0_i32_1 = arith.constant 0 : i32
    return %c0_i32, %c0_i32_0 : i32, i32
  }
  func.func @transform_4(%arg0: i32) -> (i32, i32) {
    %c0_i32 = arith.constant 0 : i32
    %c0_i32_0 = arith.constant 0 : i32
    return %arg0, %c0_i32 : i32, i32
  }
}

module attributes {stable_mosaic.version = 14 : i64} {
  func.func @_final_body(%arg0: i32, %arg1: memref<2528x128xf32, #tpu.memory_space<vmem>>, %arg2: memref<2528x128xf32, #tpu.memory_space<vmem>>, %arg3: memref<1x128xf32, #tpu.memory_space<vmem>>, %arg4: memref<128x40xf32, #tpu.memory_space<vmem>>, %arg5: memref<1x40xf32, #tpu.memory_space<vmem>>, %arg6: memref<2528x128xf32, #tpu.memory_space<vmem>>, %arg7: memref<2528x40xf32, #tpu.memory_space<vmem>>, %arg8: memref<2528x40xf32, #tpu.memory_space<vmem>>) attributes {dimension_semantics = [#tpu.dimension_semantics<arbitrary>], iteration_bounds = array<i64: 4>, scalar_prefetch = 0 : i64, scratch_operands = 0 : i64, tpu.core_type = #tpu.core_type<tc>, window_params = [{transform_indices = @transform_0, window_bounds = array<i64: 2528, 128>}, {transform_indices = @transform_1, window_bounds = array<i64: 2528, 128>}, {pipeline_mode = #tpu.pipeline_mode<synchronous>, transform_indices = @transform_2, window_bounds = array<i64: 1, 128>}, {pipeline_mode = #tpu.pipeline_mode<synchronous>, transform_indices = @transform_3, window_bounds = array<i64: 128, 40>}, {pipeline_mode = #tpu.pipeline_mode<synchronous>, transform_indices = @transform_4, window_bounds = array<i64: 1, 40>}, {transform_indices = @transform_5, window_bounds = array<i64: 2528, 128>}, {transform_indices = @transform_6, window_bounds = array<i64: 2528, 40>}, {transform_indices = @transform_7, window_bounds = array<i64: 2528, 40>}]} {
    %get3A = arith.constant 0 : index
    %get3A_0 = arith.constant 0 : index
    %get3A_1 = vector.load %arg1[%get3A, %get3A_0] : memref<2528x128xf32, #tpu.memory_space<vmem>>, vector<2528x128xf32>
    %get3A_2 = arith.constant 0 : index
    %get3A_3 = arith.constant 0 : index
    %get3A_4 = vector.load %arg2[%get3A_2, %get3A_3] : memref<2528x128xf32, #tpu.memory_space<vmem>>, vector<2528x128xf32>
    %get3A_5 = arith.constant 0 : index
    %get3A_6 = arith.constant 0 : index
    %get3A_7 = vector.load %arg3[%get3A_5, %get3A_6] : memref<1x128xf32, #tpu.memory_space<vmem>>, vector<1x128xf32>
    %add3A = arith.addf %get3A_1, %get3A_4 : vector<2528x128xf32>
    %add3A_8 = vector.broadcast %get3A_7 : vector<1x128xf32> to vector<2528x128xf32>
    %add3A_9 = arith.addf %add3A, %add3A_8 : vector<2528x128xf32>
    %mul3A = arith.mulf %add3A_9, %add3A_9 : vector<2528x128xf32>
    %reduce_sum3A = arith.constant dense<0.000000e+00> : vector<2528xf32>
    %reduce_sum3A_10 = vector.multi_reduction <add>, %mul3A, %reduce_sum3A [1] : vector<2528x128xf32> to vector<2528xf32>
    %broadcast_in_dim3A = vector.shape_cast %reduce_sum3A_10 : vector<2528xf32> to vector<2528x1xf32>
    %sqrt3A = math.sqrt %broadcast_in_dim3A : vector<2528x1xf32>
    %max3A = arith.constant 9.99999996E-13 : f32
    %max3A_11 = vector.broadcast %max3A : f32 to vector<2528x1xf32>
    %max3A_12 = arith.maximumf %sqrt3A, %max3A_11 : vector<2528x1xf32>
    %div3A = vector.broadcast %max3A_12 : vector<2528x1xf32> to vector<2528x128xf32>
    %div3A_13 = arith.divf %add3A_9, %div3A : vector<2528x128xf32>
    %max3A_14 = arith.constant 0.000000e+00 : f32
    %max3A_15 = vector.broadcast %max3A_14 : f32 to vector<2528x128xf32>
    %max3A_16 = arith.maximumf %div3A_13, %max3A_15 : vector<2528x128xf32>
    %swap3A = arith.constant 0 : index
    %swap3A_17 = arith.constant 0 : index
    %swap3A_18 = vector.load %arg6[%swap3A, %swap3A_17] : memref<2528x128xf32, #tpu.memory_space<vmem>>, vector<2528x128xf32>
    tpu.vector_store %arg6[%swap3A, %swap3A_17], %max3A_16 {strides = array<i32>} : memref<2528x128xf32, #tpu.memory_space<vmem>>, vector<2528x128xf32>,
    %get3A_19 = arith.constant 0 : index
    %get3A_20 = arith.constant 0 : index
    %get3A_21 = vector.load %arg4[%get3A_19, %get3A_20] : memref<128x40xf32, #tpu.memory_space<vmem>>, vector<128x40xf32>
    %dot_general3A = arith.constant dense<0.000000e+00> : vector<2528x40xf32>
    %dot_general3A_22 = tpu.matmul %max3A_16, %get3A_21, %dot_general3A {dimension_numbers = #tpu.dot_dimension_numbers<[1], [0], [0], [1], [0, 0, 1, 1], [], []>, precision = #tpu.contract_precision<fp32>, transpose_lhs_hint = false} : vector<2528x128xf32>, vector<128x40xf32>, vector<2528x40xf32> -> vector<2528x40xf32>
    %get3A_23 = arith.constant 0 : index
    %get3A_24 = arith.constant 0 : index
    %get3A_25 = vector.load %arg5[%get3A_23, %get3A_24] : memref<1x40xf32, #tpu.memory_space<vmem>>, vector<1x40xf32>
    %add3A_26 = vector.broadcast %get3A_25 : vector<1x40xf32> to vector<2528x40xf32>
    %add3A_27 = arith.addf %dot_general3A_22, %add3A_26 : vector<2528x40xf32>
    %swap3A_28 = arith.constant 0 : index
    %swap3A_29 = arith.constant 0 : index
    %swap3A_30 = vector.load %arg7[%swap3A_28, %swap3A_29] : memref<2528x40xf32, #tpu.memory_space<vmem>>, vector<2528x40xf32>
    tpu.vector_store %arg7[%swap3A_28, %swap3A_29], %add3A_27 {strides = array<i32>} : memref<2528x40xf32, #tpu.memory_space<vmem>>, vector<2528x40xf32>,
    %reduce_max3A = arith.constant dense<0xFF800000> : vector<2528xf32>
    %reduce_max3A_31 = vector.multi_reduction <maximumf>, %add3A_27, %reduce_max3A [1] : vector<2528x40xf32> to vector<2528xf32>
    %broadcast_in_dim3A_32 = vector.shape_cast %reduce_max3A_31 : vector<2528xf32> to vector<2528x1xf32>
    %sub3A = vector.broadcast %broadcast_in_dim3A_32 : vector<2528x1xf32> to vector<2528x40xf32>
    %sub3A_33 = arith.subf %add3A_27, %sub3A : vector<2528x40xf32>
    %exp3A = math.exp %sub3A_33 : vector<2528x40xf32>
    %reduce_sum3A_34 = arith.constant dense<0.000000e+00> : vector<2528xf32>
    %reduce_sum3A_35 = vector.multi_reduction <add>, %exp3A, %reduce_sum3A_34 [1] : vector<2528x40xf32> to vector<2528xf32>
    %broadcast_in_dim3A_36 = vector.shape_cast %reduce_sum3A_35 : vector<2528xf32> to vector<2528x1xf32>
    %div3A_37 = vector.broadcast %broadcast_in_dim3A_36 : vector<2528x1xf32> to vector<2528x40xf32>
    %div3A_38 = arith.divf %exp3A, %div3A_37 : vector<2528x40xf32>
    %swap3A_39 = arith.constant 0 : index
    %swap3A_40 = arith.constant 0 : index
    %swap3A_41 = vector.load %arg8[%swap3A_39, %swap3A_40] : memref<2528x40xf32, #tpu.memory_space<vmem>>, vector<2528x40xf32>
    tpu.vector_store %arg8[%swap3A_39, %swap3A_40], %div3A_38 {strides = array<i32>} : memref<2528x40xf32, #tpu.memory_space<vmem>>, vector<2528x40xf32>,
    return
  }
  func.func @transform_0(%arg0: i32) -> (i32, i32) {
    %c0_i32 = arith.constant 0 : i32
    %c0_i32_0 = arith.constant 0 : i32
    return %arg0, %c0_i32 : i32, i32
  }
  func.func @transform_1(%arg0: i32) -> (i32, i32) {
    %add3A = arith.constant 4 : i32
    %add3A_0 = arith.addi %arg0, %add3A : i32
    %c0_i32 = arith.constant 0 : i32
    %c0_i32_1 = arith.constant 0 : i32
    return %add3A_0, %c0_i32 : i32, i32
  }
  func.func @transform_2(%arg0: i32) -> (i32, i32) {
    %c0_i32 = arith.constant 0 : i32
    %c0_i32_0 = arith.constant 0 : i32
    %c0_i32_1 = arith.constant 0 : i32
    return %c0_i32, %c0_i32_0 : i32, i32
  }
  func.func @transform_3(%arg0: i32) -> (i32, i32) {
    %c0_i32 = arith.constant 0 : i32
    %c0_i32_0 = arith.constant 0 : i32
    %c0_i32_1 = arith.constant 0 : i32
    return %c0_i32, %c0_i32_0 : i32, i32
  }
  func.func @transform_4(%arg0: i32) -> (i32, i32) {
    %c0_i32 = arith.constant 0 : i32
    %c0_i32_0 = arith.constant 0 : i32
    %c0_i32_1 = arith.constant 0 : i32
    return %c0_i32, %c0_i32_0 : i32, i32
  }
  func.func @transform_5(%arg0: i32) -> (i32, i32) {
    %c0_i32 = arith.constant 0 : i32
    %c0_i32_0 = arith.constant 0 : i32
    return %arg0, %c0_i32 : i32, i32
  }
  func.func @transform_6(%arg0: i32) -> (i32, i32) {
    %c0_i32 = arith.constant 0 : i32
    %c0_i32_0 = arith.constant 0 : i32
    return %arg0, %c0_i32 : i32, i32
  }
  func.func @transform_7(%arg0: i32) -> (i32, i32) {
    %c0_i32 = arith.constant 0 : i32
    %c0_i32_0 = arith.constant 0 : i32
    return %arg0, %c0_i32 : i32, i32
  }
}

</mosaic_0001>

<sc_bundles>
// kernel: kernel.11.cloned.1.call-start
scs
__scs_entry_jumppad:
0x0: {  	(pc) =	sbr.rel $0x88, $3  }
0x1: {  	(tag) =	ssettag $0x0;
	lr =	simm.s32 $0x1  }
0x2: {  	[smem:$0x3F95] =	sst lr;
	_ =	strace $0xD0000000  }
0x3: {  	_ = 	snop  }
0x4: {  	_ = 	snop  }
0x5: {  	_ = 	snop  }
0x6: {  	_ = 	snop  }
0x7: {  	_ = 	snop  }
__scs_overlays_trampoline_lowered:
0x8: {  	[smem:$0x3FA4] =	sst s0  }
0x9: {  	[smem:$0x3FA5] =	sst s1  }
0xa: {  	[smem:$0x3FA6] =	sst s2  }
0xb: {  	[smem:$0x3FA7] =	sst s3  }
0xc: {  	[smem:$0x3FA8] =	sst s4  }
0xd: {  	[smem:$0x3FA9] =	sst s5  }
0xe: {  	[smem:$0x3FAA] =	sst s6  }
0xf: {  	[smem:$0x3FAB] =	sst s7  }
0x10: {  	[smem:$0x3FAC] =	sst s8  }
0x11: {  	[smem:$0x3FAD] =	sst s9;
	s0 =	simm.s32 @!p0 $0x0  }
0x12: {  	s1 =	sld [smem:$0x3F93];
	s0 =	simm.s32 @p0 $0x1  }
0x13: {  	[smem:$0x3FAE] =	sst s0;
	s0 =	simm.s32 @!p1 $0x0  }
0x14: {  	s2 =	sld [smem:$0x3F92];
	s0 =	simm.s32 @p1 $0x1  }
0x15: {  	[smem:$0x3FAF] =	sst s0;
	s0 =	simm.s32 @!p2 $0x0  }
0x16: {  	s3 =	sld [smem:$0x3FDB];
	s0 =	simm.s32 @p2 $0x1  }
0x17: {  	s4 =	simm.s32 $0x1BF5;
	[smem:$0x3FB1] =	sst s0  }
0x18: {  	s0 =	sld [smem:$0x3F94];
	_ =	swait.ge [sflag:s4], $0x0  }
0x19: {  	s7 =	sld [smem:$0x3F95]  }
0x1a: {  	s8 =	sadd.s32 $0xFFFFE003, lr  }
0x1b: {  	s9 =	sadd.s32 $0xFFFFFEF7, lr;
	s5 =	simm.s32 $0xFFFFFFFF;
	p2 =	slt.u32 s8, $0xFFFFF086  }
0x1c: {  	p1 =	slt.u32 s9, $0xF7A;
	s5 =	simm.s32 @!p2 $0x0  }
0x1d: {  	s5 =	simm.s32 @p1 $0x1;
	p0 =	seq.s32 s7, s2  }
0x1e: {  	s7 =	smul.u32 @!p0 $0xF7A, s2;
	p2 =	seq.s32 @!p0 s5, $0x0  }
0x1f: {  	s9 =	smul.u32 $0xF7A, s1;
	s8 =	simm.s32 @!p0 $0x1BF5;
	p2 =	por !p2, p0  }
0x20: {  	[sflag:s8] =	ssyncset.s32 @!p0 $0xFFFFF086;
	s6 =	sadd.s32 @!p0 s3, s7;
	s7 =	simm.s32 @!p0 $0x108  }
0x21: {  	s3 =	sadd.s32 s3, s9;
	s6 =	sadd.s32 @!p0 $0x88, s6;
	s7 =	simm.s32 @p2 $0x1082  }
0x22: {  	[simem:s7], [sflag:s8] =	dma.local @!p0 [hbm:s6], $0xF7A  }
0x23: {  	s9 =	sor.u32 $0xD0000000, s2;
	s6 =	simm.s32 $0x108;
	_ =	swait.ge @!p0 [sflag:s8], $0x0  }
0x24: {  	s3 =	sadd.s32 $0x88, s3;
	s6 =	simm.s32 @!p1 $0x1082;
	[sflag:s4] =	ssyncset.s32 $0xFFFFF086  }
0x25: {  	[simem:s6], [sflag:s4] =	dma.local [hbm:s3], $0xF7A  }
0x26: {  	[smem:$0x3F95] =	sst s1;
	(tag) =	ssettag s2;
	_ =	strace s9  }
0x27: {  	s1 =	sld [smem:$0x3FA5]  }
0x28: {  	s2 =	sld [smem:$0x3FA6]  }
0x29: {  	s4 =	sld [smem:$0x3FA8]  }
0x2a: {  	p0 =	seq.s32 s5, $0x0;
	s5 =	sld [smem:$0x3FA9]  }
0x2b: {  	s6 =	sld [smem:$0x3FAA]  }
0x2c: {  	s7 =	sld [smem:$0x3FAB]  }
0x2d: {  	s3 =	simm.s32 $0x108;
	s8 =	sld [smem:$0x3FAC]  }
0x2e: {  	s3 =	simm.s32 @!p0 $0x1082;
	s9 =	sld [smem:$0x3FAD]  }
0x2f: {  	lr =	sadd.s32 s0, s3;
	s0 =	sld [smem:$0x3FA4]  }
0x30: {  	s3 =	sld [smem:$0x3FA7]  }
0x31: {  	[smem:$0x3FB0] =	sst s10  }
0x32: {  	s10 =	sld [smem:$0x3FAE];
	_ =	sdelay $0x3  }
0x33: {  	p0 =	seq.s32 s10, $0x1;
	s10 =	sld [smem:$0x3FB0];
	_ =	sdelay $0x3  }
0x34: {  	[smem:$0x3FB0] =	sst s10  }
0x35: {  	s10 =	sld [smem:$0x3FAF];
	_ =	sdelay $0x3  }
0x36: {  	p1 =	seq.s32 s10, $0x1;
	s10 =	sld [smem:$0x3FB0];
	_ =	sdelay $0x3  }
0x37: {  	[smem:$0x3FB0] =	sst s10  }
0x38: {  	s10 =	sld [smem:$0x3FB1]  }
0x39: {  	_ = 	snop;
	(pc) =	sbr.ind lr, $3  }
0x3a: {  	_ = 	snop  }
0x3b: {  	_ = 	snop  }
0x3c: {  	p2 =	seq.s32 s10, $0x1;
	s10 =	sld [smem:$0x3FB0]  }
0x3d: {  	_ =	shalt  }
0x3e: {  	_ =	shalt  }
0x3f: {  	_ =	shalt  }
0x40: {  	_ =	shalt  }
0x41: {  	_ =	shalt  }
0x42: {  	_ =	shalt  }
0x43: {  	_ =	shalt  }
0x44: {  	_ =	shalt  }
0x45: {  	_ =	shalt  }
0x46: {  	_ =	shalt  }
0x47: {  	_ =	shalt  }
0x48: {  	_ =	shalt  }
0x49: {  	_ =	shalt  }
0x4a: {  	_ =	shalt  }
0x4b: {  	_ =	shalt  }
0x4c: {  	_ =	shalt  }
0x4d: {  	_ =	shalt  }
0x4e: {  	_ =	shalt  }
0x4f: {  	_ =	shalt  }
0x50: {  	_ =	shalt  }
0x51: {  	_ =	shalt  }
0x52: {  	_ =	shalt  }
0x53: {  	_ =	shalt  }
0x54: {  	_ =	shalt  }
0x55: {  	_ =	shalt  }
0x56: {  	_ =	shalt  }
0x57: {  	_ =	shalt  }
0x58: {  	_ =	shalt  }
0x59: {  	_ =	shalt  }
0x5a: {  	_ =	shalt  }
0x5b: {  	_ =	shalt  }
0x5c: {  	_ =	shalt  }
0x5d: {  	_ =	shalt  }
0x5e: {  	_ =	shalt  }
0x5f: {  	_ =	shalt  }
0x60: {  	_ =	shalt  }
0x61: {  	_ =	shalt  }
0x62: {  	_ =	shalt  }
0x63: {  	_ =	shalt  }
0x64: {  	_ =	shalt  }
0x65: {  	_ =	shalt  }
0x66: {  	_ =	shalt  }
0x67: {  	_ =	shalt  }
0x68: {  	_ =	shalt  }
0x69: {  	_ =	shalt  }
0x6a: {  	_ =	shalt  }
0x6b: {  	_ =	shalt  }
0x6c: {  	_ =	shalt  }
0x6d: {  	_ =	shalt  }
0x6e: {  	_ =	shalt  }
0x6f: {  	_ =	shalt  }
0x70: {  	_ =	shalt  }
0x71: {  	_ =	shalt  }
0x72: {  	_ =	shalt  }
0x73: {  	_ =	shalt  }
0x74: {  	_ =	shalt  }
0x75: {  	_ =	shalt  }
0x76: {  	_ =	shalt  }
0x77: {  	_ =	shalt  }
0x78: {  	_ =	shalt  }
0x79: {  	_ =	shalt  }
0x7a: {  	_ =	shalt  }
0x7b: {  	_ =	shalt  }
0x7c: {  	_ =	shalt  }
0x7d: {  	_ =	shalt  }
0x7e: {  	_ =	shalt  }
0x7f: {  	_ =	shalt  }
0x80: {  	_ =	shalt  }
0x81: {  	_ =	shalt  }
0x82: {  	_ =	shalt  }
0x83: {  	_ =	shalt  }
0x84: {  	_ =	shalt  }
0x85: {  	_ =	shalt  }
0x86: {  	_ =	shalt  }
0x87: {  	_ =	shalt  }
.Lfunc_end0:
.L_simem_size_0:
called_computation_lowered:
.L_overlay_start_0:
0x88: {  	s2 =	sld [smem:$0x3FD9]  }
0x89: {  	s3 =	sld [smem:$0x3FFE];
	_ =	sdelay $0x1  }
0x8a: {  	s1 =	srdreg.scid  }
0x8b: {  	s0 =	sand.u32 $0x1, s1  }
0x8c: {  	s14 =	sshll.u32 s0, $0xA;
	s2 =	sadd.s32 s3, s2  }
0x8d: {  	s2 =	sadd.s32 s2, s14  }
0x8e: {  	[smem:$0x3FBC] =	sst s2  }
0x8f: {  	_ = 	snop  }
0x90: {  	s2 =	sld [smem:$0x3FD0];
	_ =	sdelay $0x2  }
0x91: {  	s15 =	simm.s32 $0xA;
	s4 =	simm.s32 $0x10  }
0x92: {  	[smem:s4], [sflag:s15] =	dma.local [hbm:s2], $0x1  }
0x93: {  	_ =	swait.eq [sflag:s15], $0x1  }
0x94: {  	[sflag:s15] =	ssyncset.done $0x0  }
0x95: {  	s16 =	sld [smem:$0x10];
	[sflag:s15] =	ssyncadd.s32 $0xFFFFFFFF  }
0x96: {  	s17 =	sld [smem:$0x11];
	(tm) =	ssettm $0x1  }
0x97: {  	s18 =	sld [smem:$0x3FFB];
	_ =	sdelay $0x3  }
0x98: {  	_ =	strace s18  }
0x99: {  	s4 =	sld [smem:$0x3FFC];
	_ =	sdelay $0x3  }
0x9a: {  	_ =	strace s4  }
0x9b: {  	s4 =	sld [smem:$0x3FFD];
	_ =	sdelay $0x3  }
0x9c: {  	_ =	strace s4  }
0x9d: {  	_ =	strace $0x8FFFFFFF  }
0x9e: {  	s19 =	sld [smem:$0x3FDB];
	_ =	sdelay $0x1  }
0x9f: {  	s5 =	simm.s32 $_scs_section_size  }
0xa0: {  	s6 =	simm.s32 $_size__tile_overlayer_lowered;
	s7 =	simm.s32 $_tile_overlayer_lowered  }
0xa1: {  	s22 =	simm.s32 $0x1BFF;
	s21 =	sshll.u32 s7, $0x1;
	s4 =	sadd.s32 s5, s19  }
0xa2: {  	s8 =	simm.s32 $0x0;
	s20 =	sshll.u32 s6, $0x1;
	s6 =	sadd.s32 s21, s4  }
0xa3: {  	[timem:s8], [sflag:s22] =	dma.local [hbm:s6], s20  }
0xa4: {  	_ =	swait.ge [sflag:s22], s20  }
0xa5: {  	s5 =	ssub.s32 $0x0, s20;
	[sflag:s22] =	ssyncset.done $0x0  }
0xa6: {  	[sflag:s22] =	ssyncadd.s32 s5;
	_ =	sdelay $0x1  }
0xa7: {  	s23 =	simm.s32 $0x1B8B  }
0xa8: {  	_ =	swait.ge [sflag:s23], $0x1  }
0xa9: {  	[sflag:s23] =	ssyncset.done $0x0  }
0xaa: {  	s25 =	simm.s32 $0x1B8E;
	s24 =	sld [smem:$0x3FFE];
	[sflag:s23] =	ssyncadd.s32 $0xFFFFFFFF  }
0xab: {  	s26 =	simm.s32 $execute0_lowered;
	[smem:$0x3FD2] =	sst s25  }
0xac: {  	s6 =	sshll.u32 s26, $0x1;
	_ =	strace $0x80000046;
	[dreg:$0x1] =	wrdreg $0xFFFFFFFF  }
0xad: {  	s28 =	simm.s32 $_size_execute0_lowered;
	s4 =	sadd.s32 s4, s6;
	[dreg:$0x0] =	wrdreg $0x0  }
0xae: {  	s6 =	sshll.u32 s28, $0x1;
	[dreg:$0x2] =	wrdreg s4  }
0xaf: {  	[dreg:$0x3] =	wrdreg s6  }
0xb0: {  	[dreg:$0x4] =	wrdreg $0xC0  }
0xb1: {  	_ =	task [dreg:s8], $0x5FFFF  }
0xb2: {  	[dreg:$0x1] =	wrdreg $0xFFFFFFFF  }
0xb3: {  	[dreg:$0x0] =	wrdreg $0x60  }
0xb4: {  	[dreg:$0x2] =	wrdreg s24  }
0xb5: {  	[dreg:$0x3] =	wrdreg s17  }
0xb6: {  	[dreg:$0x4] =	wrdreg s16  }
0xb7: {  	[dreg:$0x5] =	wrdreg $0x82000  }
0xb8: {  	[dreg:$0x6] =	wrdreg $0x9  }
0xb9: {  	_ =	task.clear_ibuf [dreg:s8], $0x7FFFF;
	_ =	strace $0x90000046  }
0xba: {  	s29 =	simm.s32 $0x9;
	_ =	strace $0x80000048  }
0xbb: {  	_ =	swait.ge [sflag:s29], $0x1  }
0xbc: {  	[sflag:s29] =	ssyncadd.s32 $0xFFFFFFFF  }
0xbd: {  	_ =	strace $0x90000048  }
0xbe: {  	_ =	sfence  }
0xbf: {  	s30 =	sld [smem:$0x0];
	_ =	sdelay $0x2  }
0xc0: {  	s31 =	sshll.u32 s1, $0xD;
	s1 =	sshrl.u32 s1, $0x2  }
0xc1: {  	s3 =	sand.u32 $0x4000, s31;
	s1 =	sadd.s32 s1, s30  }
0xc2: {  	s0 =	sor.u32 s3, s0;
	s1 =	sshll.u32 s1, $0x11  }
0xc3: {  	s0 =	sor.u32 s1, s0  }
0xc4: {  	s0 =	sadd.s32 $0x8F2B, s0  }
0xc5: {  	[sflag:s0] =	ssyncadd.remote.s32 $0x1  }
0xc6: {  	_ =	sfence.sel $0xFFFF  }
0xc7: {  	[dreg:$0x0] =	wrdreg $0xFFFFFFFF;
	(pc) =	sbr.abs _section_cstart, $3  }
0xc8: {  	[dreg:$0x1] =	wrdreg $0xFFFFFFFF  }
0xc9: {  	_ =	task.clear_ibuf [dreg:s8], $0x2FFFF;
	_ =	strace $0x9FFFFFFF  }
0xca: {  	(tm) =	ssettm $0x7FFFFFFF  }
0xcb: {  	_ =	shalt  }
tec
execute0_lowered:
.L_overlay_start_1:
0x0: {  	(tag) =	ssettag $0x1  }
0x1: {  	s0 =	rddreg [dreg:$0x0]  }
0x2: {  	s1 =	rddreg [dreg:$0x1]  }
0x3: {  	s5 =	rddreg [dreg:$0x2]  }
0x4: {  	s2 =	rddreg [dreg:$0x3]  }
0x5: {  	s3 =	simm.s32 $0x0;
	s13 =	stileid.u32;
	s4 =	srdreg.scid  }
0x6: {  	s28 =	simm.s32 $0x2;
	s29 =	simm.s32 $0x4200;
	s30 =	simm.s32 $0x4  }
0x7: {  	s31 =	simm.s32 $0x5;
	[smem:$0x7FF] =	sst s3;
	s6 =	smul.u32 $0x2780, s13  }
0x8: {  	s10 =	sand.u32 $0x1, s4;
	s4 =	sadd.s32 $0x2E00, s0;
	s9 =	smul.u32 $0x4F000, s13  }
0x9: {  	s11 =	sshll.u32 s13, $0x1;
	s21 =	sshll.u32 s13, $0x6;
	s13 =	smul.u32 $0x5000, s13  }
0xa: {  	_ =	strace $0x80000047;
	s7 =	smul.u32 $0x27800, s10;
	s18 =	ssub.s32 $0x2, s10  }
0xb: {  	s11 =	sor.u32 s10, s11;
	s15 =	smul.u32 $0x2800, s10;
	s8 =	sadd.s32 s6, s0  }
0xc: {  	s12 =	sshrl.u32 s18, $0x1;
	s9 =	sshrl.u32 s9, $0x2;
	s11 =	smul.u32 $0x2800, s11  }
0xd: {  	s6 =	sadd.s32 s6, s7;
	s12 =	ssub.s32 s18, s12;
	s19 =	sadd.s32 s9, s2  }
0xe: {  	s20 =	sadd.s32 $0x2A600, s8;
	s7 =	sor.u32 $0x1C06, s21;
	s15 =	sadd.s32 s15, s13  }
0xf: {  	s21 =	simm.s32 $0x80;
	s0 =	sadd.s32 s6, s0;
	[dreg:$0x5] =	wrdreg s19  }
0x10: {  	[dreg:$0x6] =	wrdreg s20;
	s22 =	sshrl.u32 s11, $0x3;
	s14 =	sor.u32 $0x80, s11  }
0x11: {  	s16 =	sor.u32 $0x100, s11;
	s11 =	smax.u32 s12, $0x1;
	s25 =	sor.u32 $0x200, s15  }
0x12: {  	s18 =	sor.u32 $0x180, s15;
	s20 =	simm.s32 $0x6;
	s8 =	sadd.s32 s1, s22  }
0x13: {  	s9 =	sadd.s32 s5, s22;
	s10 =	sadd.s32 $0x51E00, s0;
	s23 =	sshrl.u32 s14, $0x3  }
0x14: {  	s24 =	sshrl.u32 s16, $0x3;
	s17 =	sshrl.u32 s25, $0x3;
	s26 =	sshrl.u32 s18, $0x3  }
.Ltmp0:
0x15: {  	s22 =	simm.s32 $0x100;
	s25 =	simm.s32 $0x200;
	(pc) =	sbr.rel .LBB2_1-.Ltmp0, $4  }
0x16: {  	s0 =	simm.s32 $0x0;
	s12 =	sadd.s32 s1, s23;
	s13 =	sadd.s32 s5, s23  }
0x17: {  	s14 =	sadd.s32 s1, s24;
	s15 =	sadd.s32 s5, s24;
	s16 =	sadd.s32 s17, s5  }
0x18: {  	s17 =	sadd.s32 s17, s1;
	s18 =	sadd.s32 s26, s5;
	s19 =	sadd.s32 s26, s1  }
0x19: {  	s23 =	simm.s32 $0x180;
	s24 =	simm.s32 $0x1;
	s26 =	simm.s32 $0x3  }
.LBB2_3:
0x1a: {  	[spmem:s2] =	stream.indirect.scatter.add.f32 [tilespmem:s29], [sflag:$0x5], $0x80, s23, s21, $0xb8;
	[tilespmem:$0x1BE00] =	vst v63  }
.LBB2_5:
0x1b: {  	_ =	swait.ge [sflag:s31], $0x4000  }
0x1c: {  	s0 =	sadd.s32 $0x1, s0;
	[sflag:s31] =	ssyncset.done $0x0  }
0x1d: {  	p0 =	sne.s32 s0, s11;
	[sflag:s31] =	ssyncadd.s32 $0xFFFFC000  }
.Ltmp1:
0x1e: {  	[bflag:$0x0] =	sbarrier.arrive $0xFFFF;
	(pc) =	sbr.rel @!p0 .LBB2_6-.Ltmp1, $4  }
0x1f: {  	[hbm:s10], [sflag:s7] =	dma.local [spmem:s1], $0x2780  }
0x20: {  	_ =	swait.ge [sflag:s20], $0x2780  }
0x21: {  	[sflag:s20] =	ssyncset.done $0x0  }
0x22: {  	[sflag:s20] =	ssyncadd.s32 $0xFFFFD880  }
.LBB2_1:
0x23: {  	s1 =	rddreg [dreg:$0x5]  }
0x24: {  	s5 =	rddreg [dreg:$0x6];
	s1 =	sshrl.u32 s1, $0x3  }
0x25: {  	[spmem:s1], [sflag:s7] =	dma.local [hbm:s5], $0x2780  }
0x26: {  	_ =	swait.ge [sflag:s20], $0x2780  }
0x27: {  	[sflag:s20] =	ssyncset.done $0x0  }
0x28: {  	[sflag:s20] =	ssyncadd.s32 $0xFFFFD880  }
0x29: {  	[bflag:$0x0] =	sbarrier.arrive $0xFFFF  }
0x2a: {  	[tilespmem:s3], [sflag:$0x1] =	stream.linear.gather [hbm4b:s8+s3], $0x80, $0x38;
	[tilespmem:$0x1BE00] =	vst v63  }
0x2b: {  	_ = 	snop  }
0x2c: {  	[tilespmem:s21], [sflag:$0x1] =	stream.linear.gather [hbm4b:s9+s3], $0x80, $0x38;
	[tilespmem:$0x1BE00] =	vst v63  }
0x2d: {  	_ = 	snop  }
0x2e: {  	[tilespmem:s22], [sflag:$0x2] =	stream.linear.gather [hbm4b:s12+s3], $0x80, $0x38;
	[tilespmem:$0x1BE00] =	vst v63  }
0x2f: {  	_ = 	snop  }
0x30: {  	[tilespmem:s23], [sflag:$0x2] =	stream.linear.gather [hbm4b:s13+s3], $0x80, $0x38;
	[tilespmem:$0x1BE00] =	vst v63  }
0x31: {  	_ =	swait.ge [sflag:s24], $0x80  }
0x32: {  	[sflag:s24] =	ssyncset.done $0x0  }
0x33: {  	[sflag:s24] =	ssyncadd.s32 $0xFFFFFF80  }
0x34: {  	_ =	swait.ge [sflag:s24], $0x80  }
0x35: {  	[sflag:s24] =	ssyncset.done $0x0  }
0x36: {  	[sflag:s24] =	ssyncadd.s32 $0xFFFFFF80  }
0x37: {  	[tilespmem:s25], [sflag:$0x3] =	stream.indirect.gather [hbm4b:s4+s21], $0x80, s3, s21, $0xb8;
	[tilespmem:$0x1BE00] =	vst v63  }
0x38: {  	_ =	swait.ge [sflag:s26], $0x4000  }
0x39: {  	[sflag:s26] =	ssyncset.done $0x0  }
0x3a: {  	[sflag:s26] =	ssyncadd.s32 $0xFFFFC000  }
0x3b: {  	[spmem:s2] =	stream.indirect.scatter.add.f32 [tilespmem:s25], [sflag:$0x4], $0x80, s21, s21, $0xb8;
	[tilespmem:$0x1BE00] =	vst v63  }
0x3c: {  	_ =	swait.ge [sflag:s28], $0x80  }
0x3d: {  	[sflag:s28] =	ssyncset.done $0x0  }
0x3e: {  	[sflag:s28] =	ssyncadd.s32 $0xFFFFFF80  }
0x3f: {  	_ =	swait.ge [sflag:s28], $0x80  }
0x40: {  	[sflag:s28] =	ssyncset.done $0x0  }
0x41: {  	[sflag:s28] =	ssyncadd.s32 $0xFFFFFF80  }
0x42: {  	[tilespmem:s29], [sflag:$0x3] =	stream.indirect.gather [hbm4b:s4+s21], $0x80, s22, s21, $0xb8;
	[tilespmem:$0x1BE00] =	vst v63  }
0x43: {  	_ =	swait.ge [sflag:s26], $0x4000  }
0x44: {  	[sflag:s26] =	ssyncset.done $0x0  }
0x45: {  	[sflag:s26] =	ssyncadd.s32 $0xFFFFC000  }
0x46: {  	_ =	swait.ge [sflag:s30], $0x4000  }
0x47: {  	[sflag:s30] =	ssyncset.done $0x0  }
0x48: {  	[sflag:s30] =	ssyncadd.s32 $0xFFFFC000  }
0x49: {  	[tilespmem:s3], [sflag:$0x1] =	stream.linear.gather [hbm4b:s14+s3], $0x80, $0x38;
	[tilespmem:$0x1BE00] =	vst v63  }
0x4a: {  	_ = 	snop  }
0x4b: {  	[tilespmem:s21], [sflag:$0x1] =	stream.linear.gather [hbm4b:s15+s3], $0x80, $0x38;
	[tilespmem:$0x1BE00] =	vst v63  }
0x4c: {  	s5 =	simm.s32 $0x0  }
0x4d: {  	[spmem:s2] =	stream.indirect.scatter.add.f32 [tilespmem:s29], [sflag:$0x5], $0x80, s23, s21, $0xb8;
	[tilespmem:$0x1BE00] =	vst v63  }
.LBB2_2:
0x4e: {  	_ =	swait.ge [sflag:s31], $0x4000  }
0x4f: {  	[sflag:s31] =	ssyncset.done $0x0  }
0x50: {  	s6 =	sadd.s32 s5, s19;
	[sflag:s31] =	ssyncadd.s32 $0xFFFFC000  }
0x51: {  	[tilespmem:s22], [sflag:$0x2] =	stream.linear.gather [hbm4b:s6+s3], $0x80, $0x38;
	[tilespmem:$0x1BE00] =	vst v63  }
0x52: {  	s6 =	sadd.s32 s5, s18  }
0x53: {  	[tilespmem:s23], [sflag:$0x2] =	stream.linear.gather [hbm4b:s6+s3], $0x80, $0x38;
	[tilespmem:$0x1BE00] =	vst v63  }
0x54: {  	_ =	swait.ge [sflag:s24], $0x80  }
0x55: {  	[sflag:s24] =	ssyncset.done $0x0  }
0x56: {  	[sflag:s24] =	ssyncadd.s32 $0xFFFFFF80  }
0x57: {  	_ =	swait.ge [sflag:s24], $0x80  }
0x58: {  	[sflag:s24] =	ssyncset.done $0x0  }
0x59: {  	[sflag:s24] =	ssyncadd.s32 $0xFFFFFF80  }
0x5a: {  	[tilespmem:s25], [sflag:$0x3] =	stream.indirect.gather [hbm4b:s4+s21], $0x80, s3, s21, $0xb8;
	[tilespmem:$0x1BE00] =	vst v63  }
0x5b: {  	_ =	swait.ge [sflag:s26], $0x4000  }
0x5c: {  	[sflag:s26] =	ssyncset.done $0x0  }
0x5d: {  	[sflag:s26] =	ssyncadd.s32 $0xFFFFC000  }
0x5e: {  	[spmem:s2] =	stream.indirect.scatter.add.f32 [tilespmem:s25], [sflag:$0x4], $0x80, s21, s21, $0xb8;
	[tilespmem:$0x1BE00] =	vst v63  }
0x5f: {  	_ =	swait.ge [sflag:s28], $0x80  }
0x60: {  	[sflag:s28] =	ssyncset.done $0x0  }
0x61: {  	[sflag:s28] =	ssyncadd.s32 $0xFFFFFF80  }
0x62: {  	_ =	swait.ge [sflag:s28], $0x80  }
0x63: {  	[sflag:s28] =	ssyncset.done $0x0  }
0x64: {  	[sflag:s28] =	ssyncadd.s32 $0xFFFFFF80  }
0x65: {  	[tilespmem:s29], [sflag:$0x3] =	stream.indirect.gather [hbm4b:s4+s21], $0x80, s22, s21, $0xb8;
	[tilespmem:$0x1BE00] =	vst v63  }
0x66: {  	p0 =	sne.s32 s5, $0x4C0;
	_ =	swait.ge [sflag:s26], $0x4000  }
.Ltmp2:
0x67: {  	[sflag:s26] =	ssyncset.done $0x0;
	(pc) =	sbr.rel @!p0 .LBB2_3-.Ltmp2, $4  }
0x68: {  	[sflag:s26] =	ssyncadd.s32 $0xFFFFC000  }
0x69: {  	_ =	swait.ge [sflag:s30], $0x4000  }
0x6a: {  	[sflag:s30] =	ssyncset.done $0x0  }
0x6b: {  	[sflag:s30] =	ssyncadd.s32 $0xFFFFC000  }
0x6c: {  	s6 =	sadd.s32 s5, s17  }
0x6d: {  	[tilespmem:s3], [sflag:$0x1] =	stream.linear.gather [hbm4b:s6+s3], $0x80, $0x38;
	[tilespmem:$0x1BE00] =	vst v63  }
0x6e: {  	s6 =	sadd.s32 s5, s16;
	s5 =	sadd.s32 $0x20, s5  }
0x6f: {  	p0 =	sne.s32 s5, $0x4E0  }
.Ltmp3:
0x70: {  	_ = 	snop;
	(pc) =	sbr.rel @p0 .LBB2_2-.Ltmp3, $4  }
.Ltmp4:
0x71: {  	_ = 	snop;
	(pc) =	sbr.rel @!p0 .LBB2_5-.Ltmp4, $4  }
0x72: {  	[tilespmem:s21], [sflag:$0x1] =	stream.linear.gather [hbm4b:s6+s3], $0x80, $0x38;
	[tilespmem:$0x1BE00] =	vst v63  }
0x73: {  	_ = 	snop  }
0x74: {  	[spmem:s2] =	stream.indirect.scatter.add.f32 [tilespmem:s29], [sflag:$0x5], $0x80, s23, s21, $0xb8;
	[tilespmem:$0x1BE00] =	vst v63  }
0x75: {  	_ = 	snop  }
.LBB2_6:
0x76: {  	_ =	sfence.sel $0x180000  }
0x77: {  	[bflag:$0x0] =	sbarrier.arrive $0xFFFF  }
0x78: {  	_ =	strace $0x90000047  }
0x79: {  	s0 =	stileid.u32;
	[bflag:$0x2] =	sbarrier.arrive $0xFFFF  }
0x7a: {  	p0 =	sne.s32 s0, $0x0;
	s0 =	rddreg [dreg:$0x4]  }
0x7b: {  	s0 =	sadd.s32 @!p0 $0x100000, s0  }
0x7c: {  	[sflag:s0] =	ssyncadd.tile.s32 @!p0 $0x1;
	_ =	shalt  }
.Lfunc_end2:
_tile_overlayer_lowered:
.L_overlay_start_2:
0x7d: {  	(tag) =	ssettag $0x2  }
0x7e: {  	s0 =	rddreg [dreg:$0x0];
	s2 =	stileid.u32  }
0x7f: {  	s1 =	rddreg [dreg:$0x1];
	p0 =	sne.s32 s2, $0x0  }
0x80: {  	s3 =	rddreg [dreg:$0x2];
	[bflag:$0x3] =	sbarrier.arrive $0xFFFF;
	s2 =	simm.s32 @!p0 $0x1C06  }
0x81: {  	[timem:s3], [sflag:s2] =	dma.local @!p0 [hbm:s0], s1  }
0x82: {  	s0 =	simm.s32 @!p0 $0x6  }
0x83: {  	_ =	swait.ge @!p0 [sflag:s0], s1  }
0x84: {  	s1 =	ssub.s32 @!p0 $0x0, s1;
	[sflag:s0] =	ssyncset.done @!p0 $0x0  }
0x85: {  	[sflag:s0] =	ssyncadd.s32 @!p0 s1  }
0x86: {  	[bflag:$0x3] =	sbarrier.arrive $0xFFFF  }
0x87: {  	_ =	shalt  }

// kernel: kernel.14.cloned.1.call-start
scs
__scs_entry_jumppad:
0x0: {  	(pc) =	sbr.rel $0x88, $3  }
0x1: {  	(tag) =	ssettag $0x0;
	lr =	simm.s32 $0x1  }
0x2: {  	[smem:$0x3F95] =	sst lr;
	_ =	strace $0xD0000000  }
0x3: {  	_ = 	snop  }
0x4: {  	_ = 	snop  }
0x5: {  	_ = 	snop  }
0x6: {  	_ = 	snop  }
0x7: {  	_ = 	snop  }
__scs_overlays_trampoline_lowered:
0x8: {  	[smem:$0x3FA4] =	sst s0  }
0x9: {  	[smem:$0x3FA5] =	sst s1  }
0xa: {  	[smem:$0x3FA6] =	sst s2  }
0xb: {  	[smem:$0x3FA7] =	sst s3  }
0xc: {  	[smem:$0x3FA8] =	sst s4  }
0xd: {  	[smem:$0x3FA9] =	sst s5  }
0xe: {  	[smem:$0x3FAA] =	sst s6  }
0xf: {  	[smem:$0x3FAB] =	sst s7  }
0x10: {  	[smem:$0x3FAC] =	sst s8  }
0x11: {  	[smem:$0x3FAD] =	sst s9;
	s0 =	simm.s32 @!p0 $0x0  }
0x12: {  	s1 =	sld [smem:$0x3F93];
	s0 =	simm.s32 @p0 $0x1  }
0x13: {  	[smem:$0x3FAE] =	sst s0;
	s0 =	simm.s32 @!p1 $0x0  }
0x14: {  	s2 =	sld [smem:$0x3F92];
	s0 =	simm.s32 @p1 $0x1  }
0x15: {  	[smem:$0x3FAF] =	sst s0;
	s0 =	simm.s32 @!p2 $0x0  }
0x16: {  	s3 =	sld [smem:$0x3FDB];
	s0 =	simm.s32 @p2 $0x1  }
0x17: {  	s4 =	simm.s32 $0x1BF5;
	[smem:$0x3FB1] =	sst s0  }
0x18: {  	s0 =	sld [smem:$0x3F94];
	_ =	swait.ge [sflag:s4], $0x0  }
0x19: {  	s7 =	sld [smem:$0x3F95]  }
0x1a: {  	s8 =	sadd.s32 $0xFFFFE003, lr  }
0x1b: {  	s9 =	sadd.s32 $0xFFFFFEF7, lr;
	s5 =	simm.s32 $0xFFFFFFFF;
	p2 =	slt.u32 s8, $0xFFFFF086  }
0x1c: {  	p1 =	slt.u32 s9, $0xF7A;
	s5 =	simm.s32 @!p2 $0x0  }
0x1d: {  	s5 =	simm.s32 @p1 $0x1;
	p0 =	seq.s32 s7, s2  }
0x1e: {  	s7 =	smul.u32 @!p0 $0xF7A, s2;
	p2 =	seq.s32 @!p0 s5, $0x0  }
0x1f: {  	s9 =	smul.u32 $0xF7A, s1;
	s8 =	simm.s32 @!p0 $0x1BF5;
	p2 =	por !p2, p0  }
0x20: {  	[sflag:s8] =	ssyncset.s32 @!p0 $0xFFFFF086;
	s6 =	sadd.s32 @!p0 s3, s7;
	s7 =	simm.s32 @!p0 $0x108  }
0x21: {  	s3 =	sadd.s32 s3, s9;
	s6 =	sadd.s32 @!p0 $0x88, s6;
	s7 =	simm.s32 @p2 $0x1082  }
0x22: {  	[simem:s7], [sflag:s8] =	dma.local @!p0 [hbm:s6], $0xF7A  }
0x23: {  	s9 =	sor.u32 $0xD0000000, s2;
	s6 =	simm.s32 $0x108;
	_ =	swait.ge @!p0 [sflag:s8], $0x0  }
0x24: {  	s3 =	sadd.s32 $0x88, s3;
	s6 =	simm.s32 @!p1 $0x1082;
	[sflag:s4] =	ssyncset.s32 $0xFFFFF086  }
0x25: {  	[simem:s6], [sflag:s4] =	dma.local [hbm:s3], $0xF7A  }
0x26: {  	[smem:$0x3F95] =	sst s1;
	(tag) =	ssettag s2;
	_ =	strace s9  }
0x27: {  	s1 =	sld [smem:$0x3FA5]  }
0x28: {  	s2 =	sld [smem:$0x3FA6]  }
0x29: {  	s4 =	sld [smem:$0x3FA8]  }
0x2a: {  	p0 =	seq.s32 s5, $0x0;
	s5 =	sld [smem:$0x3FA9]  }
0x2b: {  	s6 =	sld [smem:$0x3FAA]  }
0x2c: {  	s7 =	sld [smem:$0x3FAB]  }
0x2d: {  	s3 =	simm.s32 $0x108;
	s8 =	sld [smem:$0x3FAC]  }
0x2e: {  	s3 =	simm.s32 @!p0 $0x1082;
	s9 =	sld [smem:$0x3FAD]  }
0x2f: {  	lr =	sadd.s32 s0, s3;
	s0 =	sld [smem:$0x3FA4]  }
0x30: {  	s3 =	sld [smem:$0x3FA7]  }
0x31: {  	[smem:$0x3FB0] =	sst s10  }
0x32: {  	s10 =	sld [smem:$0x3FAE];
	_ =	sdelay $0x3  }
0x33: {  	p0 =	seq.s32 s10, $0x1;
	s10 =	sld [smem:$0x3FB0];
	_ =	sdelay $0x3  }
0x34: {  	[smem:$0x3FB0] =	sst s10  }
0x35: {  	s10 =	sld [smem:$0x3FAF];
	_ =	sdelay $0x3  }
0x36: {  	p1 =	seq.s32 s10, $0x1;
	s10 =	sld [smem:$0x3FB0];
	_ =	sdelay $0x3  }
0x37: {  	[smem:$0x3FB0] =	sst s10  }
0x38: {  	s10 =	sld [smem:$0x3FB1]  }
0x39: {  	_ = 	snop;
	(pc) =	sbr.ind lr, $3  }
0x3a: {  	_ = 	snop  }
0x3b: {  	_ = 	snop  }
0x3c: {  	p2 =	seq.s32 s10, $0x1;
	s10 =	sld [smem:$0x3FB0]  }
0x3d: {  	_ =	shalt  }
0x3e: {  	_ =	shalt  }
0x3f: {  	_ =	shalt  }
0x40: {  	_ =	shalt  }
0x41: {  	_ =	shalt  }
0x42: {  	_ =	shalt  }
0x43: {  	_ =	shalt  }
0x44: {  	_ =	shalt  }
0x45: {  	_ =	shalt  }
0x46: {  	_ =	shalt  }
0x47: {  	_ =	shalt  }
0x48: {  	_ =	shalt  }
0x49: {  	_ =	shalt  }
0x4a: {  	_ =	shalt  }
0x4b: {  	_ =	shalt  }
0x4c: {  	_ =	shalt  }
0x4d: {  	_ =	shalt  }
0x4e: {  	_ =	shalt  }
0x4f: {  	_ =	shalt  }
0x50: {  	_ =	shalt  }
0x51: {  	_ =	shalt  }
0x52: {  	_ =	shalt  }
0x53: {  	_ =	shalt  }
0x54: {  	_ =	shalt  }
0x55: {  	_ =	shalt  }
0x56: {  	_ =	shalt  }
0x57: {  	_ =	shalt  }
0x58: {  	_ =	shalt  }
0x59: {  	_ =	shalt  }
0x5a: {  	_ =	shalt  }
0x5b: {  	_ =	shalt  }
0x5c: {  	_ =	shalt  }
0x5d: {  	_ =	shalt  }
0x5e: {  	_ =	shalt  }
0x5f: {  	_ =	shalt  }
0x60: {  	_ =	shalt  }
0x61: {  	_ =	shalt  }
0x62: {  	_ =	shalt  }
0x63: {  	_ =	shalt  }
0x64: {  	_ =	shalt  }
0x65: {  	_ =	shalt  }
0x66: {  	_ =	shalt  }
0x67: {  	_ =	shalt  }
0x68: {  	_ =	shalt  }
0x69: {  	_ =	shalt  }
0x6a: {  	_ =	shalt  }
0x6b: {  	_ =	shalt  }
0x6c: {  	_ =	shalt  }
0x6d: {  	_ =	shalt  }
0x6e: {  	_ =	shalt  }
0x6f: {  	_ =	shalt  }
0x70: {  	_ =	shalt  }
0x71: {  	_ =	shalt  }
0x72: {  	_ =	shalt  }
0x73: {  	_ =	shalt  }
0x74: {  	_ =	shalt  }
0x75: {  	_ =	shalt  }
0x76: {  	_ =	shalt  }
0x77: {  	_ =	shalt  }
0x78: {  	_ =	shalt  }
0x79: {  	_ =	shalt  }
0x7a: {  	_ =	shalt  }
0x7b: {  	_ =	shalt  }
0x7c: {  	_ =	shalt  }
0x7d: {  	_ =	shalt  }
0x7e: {  	_ =	shalt  }
0x7f: {  	_ =	shalt  }
0x80: {  	_ =	shalt  }
0x81: {  	_ =	shalt  }
0x82: {  	_ =	shalt  }
0x83: {  	_ =	shalt  }
0x84: {  	_ =	shalt  }
0x85: {  	_ =	shalt  }
0x86: {  	_ =	shalt  }
0x87: {  	_ =	shalt  }
.Lfunc_end0:
.L_simem_size_0:
called_computation.1_lowered:
.L_overlay_start_0:
0x88: {  	s2 =	sld [smem:$0x3FD9]  }
0x89: {  	s3 =	sld [smem:$0x3FFE];
	_ =	sdelay $0x1  }
0x8a: {  	s1 =	srdreg.scid  }
0x8b: {  	s0 =	sand.u32 $0x1, s1  }
0x8c: {  	s14 =	sshll.u32 s0, $0xA;
	s2 =	sadd.s32 s3, s2  }
0x8d: {  	s2 =	sadd.s32 s2, s14  }
0x8e: {  	[smem:$0x3FBC] =	sst s2  }
0x8f: {  	_ = 	snop  }
0x90: {  	s2 =	sld [smem:$0x3FD0];
	_ =	sdelay $0x2  }
0x91: {  	s15 =	simm.s32 $0xA;
	s4 =	simm.s32 $0x10  }
0x92: {  	[smem:s4], [sflag:s15] =	dma.local [hbm:s2], $0x1  }
0x93: {  	_ =	swait.eq [sflag:s15], $0x1  }
0x94: {  	[sflag:s15] =	ssyncset.done $0x0  }
0x95: {  	s16 =	sld [smem:$0x10];
	[sflag:s15] =	ssyncadd.s32 $0xFFFFFFFF  }
0x96: {  	s17 =	sld [smem:$0x11];
	(tm) =	ssettm $0x1  }
0x97: {  	s18 =	sld [smem:$0x3FFB];
	_ =	sdelay $0x3  }
0x98: {  	_ =	strace s18  }
0x99: {  	s4 =	sld [smem:$0x3FFC];
	_ =	sdelay $0x3  }
0x9a: {  	_ =	strace s4  }
0x9b: {  	s4 =	sld [smem:$0x3FFD];
	_ =	sdelay $0x3  }
0x9c: {  	_ =	strace s4  }
0x9d: {  	_ =	strace $0x8FFFFFFF  }
0x9e: {  	s19 =	sld [smem:$0x3FDB];
	_ =	sdelay $0x1  }
0x9f: {  	s5 =	simm.s32 $_scs_section_size  }
0xa0: {  	s6 =	simm.s32 $_size__tile_overlayer_lowered;
	s7 =	simm.s32 $_tile_overlayer_lowered  }
0xa1: {  	s22 =	simm.s32 $0x1BFF;
	s21 =	sshll.u32 s7, $0x1;
	s4 =	sadd.s32 s5, s19  }
0xa2: {  	s8 =	simm.s32 $0x0;
	s20 =	sshll.u32 s6, $0x1;
	s6 =	sadd.s32 s21, s4  }
0xa3: {  	[timem:s8], [sflag:s22] =	dma.local [hbm:s6], s20  }
0xa4: {  	_ =	swait.ge [sflag:s22], s20  }
0xa5: {  	s5 =	ssub.s32 $0x0, s20;
	[sflag:s22] =	ssyncset.done $0x0  }
0xa6: {  	[sflag:s22] =	ssyncadd.s32 s5;
	_ =	sdelay $0x1  }
0xa7: {  	s23 =	simm.s32 $0x1B8B  }
0xa8: {  	_ =	swait.ge [sflag:s23], $0x1  }
0xa9: {  	[sflag:s23] =	ssyncset.done $0x0  }
0xaa: {  	s25 =	simm.s32 $0x1B8E;
	s24 =	sld [smem:$0x3FFE];
	[sflag:s23] =	ssyncadd.s32 $0xFFFFFFFF  }
0xab: {  	s26 =	simm.s32 $execute0_lowered;
	[smem:$0x3FD2] =	sst s25  }
0xac: {  	s6 =	sshll.u32 s26, $0x1;
	_ =	strace $0x80000049;
	[dreg:$0x1] =	wrdreg $0xFFFFFFFF  }
0xad: {  	s28 =	simm.s32 $_size_execute0_lowered;
	s4 =	sadd.s32 s4, s6;
	[dreg:$0x0] =	wrdreg $0x0  }
0xae: {  	s6 =	sshll.u32 s28, $0x1;
	[dreg:$0x2] =	wrdreg s4  }
0xaf: {  	[dreg:$0x3] =	wrdreg s6  }
0xb0: {  	[dreg:$0x4] =	wrdreg $0xC0  }
0xb1: {  	_ =	task [dreg:s8], $0x5FFFF  }
0xb2: {  	[dreg:$0x1] =	wrdreg $0xFFFFFFFF  }
0xb3: {  	[dreg:$0x0] =	wrdreg $0x60  }
0xb4: {  	[dreg:$0x2] =	wrdreg s24  }
0xb5: {  	[dreg:$0x3] =	wrdreg s17  }
0xb6: {  	[dreg:$0x4] =	wrdreg s16  }
0xb7: {  	[dreg:$0x5] =	wrdreg $0x82000  }
0xb8: {  	[dreg:$0x6] =	wrdreg $0x9  }
0xb9: {  	_ =	task.clear_ibuf [dreg:s8], $0x7FFFF;
	_ =	strace $0x90000049  }
0xba: {  	s29 =	simm.s32 $0x9;
	_ =	strace $0x8000004B  }
0xbb: {  	_ =	swait.ge [sflag:s29], $0x1  }
0xbc: {  	[sflag:s29] =	ssyncadd.s32 $0xFFFFFFFF  }
0xbd: {  	_ =	strace $0x9000004B  }
0xbe: {  	_ =	sfence  }
0xbf: {  	s30 =	sld [smem:$0x0];
	_ =	sdelay $0x2  }
0xc0: {  	s31 =	sshll.u32 s1, $0xD;
	s1 =	sshrl.u32 s1, $0x2  }
0xc1: {  	s3 =	sand.u32 $0x4000, s31;
	s1 =	sadd.s32 s1, s30  }
0xc2: {  	s0 =	sor.u32 s3, s0;
	s1 =	sshll.u32 s1, $0x11  }
0xc3: {  	s0 =	sor.u32 s1, s0  }
0xc4: {  	s0 =	sadd.s32 $0x8F2B, s0  }
0xc5: {  	[sflag:s0] =	ssyncadd.remote.s32 $0x1  }
0xc6: {  	_ =	sfence.sel $0xFFFF  }
0xc7: {  	[dreg:$0x0] =	wrdreg $0xFFFFFFFF;
	(pc) =	sbr.abs _section_cstart, $3  }
0xc8: {  	[dreg:$0x1] =	wrdreg $0xFFFFFFFF  }
0xc9: {  	_ =	task.clear_ibuf [dreg:s8], $0x2FFFF;
	_ =	strace $0x9FFFFFFF  }
0xca: {  	(tm) =	ssettm $0x7FFFFFFF  }
0xcb: {  	_ =	shalt  }
tec
execute0_lowered:
.L_overlay_start_1:
0x0: {  	(tag) =	ssettag $0x1  }
0x1: {  	s0 =	rddreg [dreg:$0x0]  }
0x2: {  	s1 =	rddreg [dreg:$0x1]  }
0x3: {  	s5 =	rddreg [dreg:$0x2]  }
0x4: {  	s2 =	rddreg [dreg:$0x3]  }
0x5: {  	s3 =	simm.s32 $0x0;
	s13 =	stileid.u32;
	s4 =	srdreg.scid  }
0x6: {  	s28 =	simm.s32 $0x2;
	s29 =	simm.s32 $0x4200;
	s30 =	simm.s32 $0x4  }
0x7: {  	s31 =	simm.s32 $0x5;
	[smem:$0x7FF] =	sst s3;
	s6 =	smul.u32 $0x2780, s13  }
0x8: {  	s10 =	sand.u32 $0x1, s4;
	s4 =	sadd.s32 $0x2E00, s0;
	s9 =	smul.u32 $0x4F000, s13  }
0x9: {  	s11 =	sshll.u32 s13, $0x1;
	s21 =	sshll.u32 s13, $0x6;
	s13 =	smul.u32 $0x5000, s13  }
0xa: {  	_ =	strace $0x8000004A;
	s7 =	smul.u32 $0x27800, s10;
	s18 =	ssub.s32 $0x2, s10  }
0xb: {  	s11 =	sor.u32 s10, s11;
	s15 =	smul.u32 $0x2800, s10;
	s8 =	sadd.s32 s6, s0  }
0xc: {  	s12 =	sshrl.u32 s18, $0x1;
	s9 =	sshrl.u32 s9, $0x2;
	s11 =	smul.u32 $0x2800, s11  }
0xd: {  	s6 =	sadd.s32 s6, s7;
	s12 =	ssub.s32 s18, s12;
	s19 =	sadd.s32 s9, s2  }
0xe: {  	s20 =	sadd.s32 $0x2A600, s8;
	s7 =	sor.u32 $0x1C06, s21;
	s15 =	sadd.s32 s15, s13  }
0xf: {  	s21 =	simm.s32 $0x80;
	s0 =	sadd.s32 s6, s0;
	[dreg:$0x5] =	wrdreg s19  }
0x10: {  	[dreg:$0x6] =	wrdreg s20;
	s22 =	sshrl.u32 s11, $0x3;
	s14 =	sor.u32 $0x80, s11  }
0x11: {  	s16 =	sor.u32 $0x100, s11;
	s11 =	smax.u32 s12, $0x1;
	s25 =	sor.u32 $0x200, s15  }
0x12: {  	s18 =	sor.u32 $0x180, s15;
	s20 =	simm.s32 $0x6;
	s8 =	sadd.s32 s1, s22  }
0x13: {  	s9 =	sadd.s32 s5, s22;
	s10 =	sadd.s32 $0x51E00, s0;
	s23 =	sshrl.u32 s14, $0x3  }
0x14: {  	s24 =	sshrl.u32 s16, $0x3;
	s17 =	sshrl.u32 s25, $0x3;
	s26 =	sshrl.u32 s18, $0x3  }
.Ltmp0:
0x15: {  	s22 =	simm.s32 $0x100;
	s25 =	simm.s32 $0x200;
	(pc) =	sbr.rel .LBB2_1-.Ltmp0, $4  }
0x16: {  	s0 =	simm.s32 $0x0;
	s12 =	sadd.s32 s1, s23;
	s13 =	sadd.s32 s5, s23  }
0x17: {  	s14 =	sadd.s32 s1, s24;
	s15 =	sadd.s32 s5, s24;
	s16 =	sadd.s32 s17, s5  }
0x18: {  	s17 =	sadd.s32 s17, s1;
	s18 =	sadd.s32 s26, s5;
	s19 =	sadd.s32 s26, s1  }
0x19: {  	s23 =	simm.s32 $0x180;
	s24 =	simm.s32 $0x1;
	s26 =	simm.s32 $0x3  }
.LBB2_3:
0x1a: {  	[spmem:s2] =	stream.indirect.scatter.add.f32 [tilespmem:s29], [sflag:$0x5], $0x80, s23, s21, $0xb8;
	[tilespmem:$0x1BE00] =	vst v63  }
.LBB2_5:
0x1b: {  	_ =	swait.ge [sflag:s31], $0x4000  }
0x1c: {  	s0 =	sadd.s32 $0x1, s0;
	[sflag:s31] =	ssyncset.done $0x0  }
0x1d: {  	p0 =	sne.s32 s0, s11;
	[sflag:s31] =	ssyncadd.s32 $0xFFFFC000  }
.Ltmp1:
0x1e: {  	[bflag:$0x0] =	sbarrier.arrive $0xFFFF;
	(pc) =	sbr.rel @!p0 .LBB2_6-.Ltmp1, $4  }
0x1f: {  	[hbm:s10], [sflag:s7] =	dma.local [spmem:s1], $0x2780  }
0x20: {  	_ =	swait.ge [sflag:s20], $0x2780  }
0x21: {  	[sflag:s20] =	ssyncset.done $0x0  }
0x22: {  	[sflag:s20] =	ssyncadd.s32 $0xFFFFD880  }
.LBB2_1:
0x23: {  	s1 =	rddreg [dreg:$0x5]  }
0x24: {  	s5 =	rddreg [dreg:$0x6];
	s1 =	sshrl.u32 s1, $0x3  }
0x25: {  	[spmem:s1], [sflag:s7] =	dma.local [hbm:s5], $0x2780  }
0x26: {  	_ =	swait.ge [sflag:s20], $0x2780  }
0x27: {  	[sflag:s20] =	ssyncset.done $0x0  }
0x28: {  	[sflag:s20] =	ssyncadd.s32 $0xFFFFD880  }
0x29: {  	[bflag:$0x0] =	sbarrier.arrive $0xFFFF  }
0x2a: {  	[tilespmem:s3], [sflag:$0x1] =	stream.linear.gather [hbm4b:s8+s3], $0x80, $0x38;
	[tilespmem:$0x1BE00] =	vst v63  }
0x2b: {  	_ = 	snop  }
0x2c: {  	[tilespmem:s21], [sflag:$0x1] =	stream.linear.gather [hbm4b:s9+s3], $0x80, $0x38;
	[tilespmem:$0x1BE00] =	vst v63  }
0x2d: {  	_ = 	snop  }
0x2e: {  	[tilespmem:s22], [sflag:$0x2] =	stream.linear.gather [hbm4b:s12+s3], $0x80, $0x38;
	[tilespmem:$0x1BE00] =	vst v63  }
0x2f: {  	_ = 	snop  }
0x30: {  	[tilespmem:s23], [sflag:$0x2] =	stream.linear.gather [hbm4b:s13+s3], $0x80, $0x38;
	[tilespmem:$0x1BE00] =	vst v63  }
0x31: {  	_ =	swait.ge [sflag:s24], $0x80  }
0x32: {  	[sflag:s24] =	ssyncset.done $0x0  }
0x33: {  	[sflag:s24] =	ssyncadd.s32 $0xFFFFFF80  }
0x34: {  	_ =	swait.ge [sflag:s24], $0x80  }
0x35: {  	[sflag:s24] =	ssyncset.done $0x0  }
0x36: {  	[sflag:s24] =	ssyncadd.s32 $0xFFFFFF80  }
0x37: {  	[tilespmem:s25], [sflag:$0x3] =	stream.indirect.gather [hbm4b:s4+s21], $0x80, s3, s21, $0xb8;
	[tilespmem:$0x1BE00] =	vst v63  }
0x38: {  	_ =	swait.ge [sflag:s26], $0x4000  }
0x39: {  	[sflag:s26] =	ssyncset.done $0x0  }
0x3a: {  	[sflag:s26] =	ssyncadd.s32 $0xFFFFC000  }
0x3b: {  	[spmem:s2] =	stream.indirect.scatter.add.f32 [tilespmem:s25], [sflag:$0x4], $0x80, s21, s21, $0xb8;
	[tilespmem:$0x1BE00] =	vst v63  }
0x3c: {  	_ =	swait.ge [sflag:s28], $0x80  }
0x3d: {  	[sflag:s28] =	ssyncset.done $0x0  }
0x3e: {  	[sflag:s28] =	ssyncadd.s32 $0xFFFFFF80  }
0x3f: {  	_ =	swait.ge [sflag:s28], $0x80  }
0x40: {  	[sflag:s28] =	ssyncset.done $0x0  }
0x41: {  	[sflag:s28] =	ssyncadd.s32 $0xFFFFFF80  }
0x42: {  	[tilespmem:s29], [sflag:$0x3] =	stream.indirect.gather [hbm4b:s4+s21], $0x80, s22, s21, $0xb8;
	[tilespmem:$0x1BE00] =	vst v63  }
0x43: {  	_ =	swait.ge [sflag:s26], $0x4000  }
0x44: {  	[sflag:s26] =	ssyncset.done $0x0  }
0x45: {  	[sflag:s26] =	ssyncadd.s32 $0xFFFFC000  }
0x46: {  	_ =	swait.ge [sflag:s30], $0x4000  }
0x47: {  	[sflag:s30] =	ssyncset.done $0x0  }
0x48: {  	[sflag:s30] =	ssyncadd.s32 $0xFFFFC000  }
0x49: {  	[tilespmem:s3], [sflag:$0x1] =	stream.linear.gather [hbm4b:s14+s3], $0x80, $0x38;
	[tilespmem:$0x1BE00] =	vst v63  }
0x4a: {  	_ = 	snop  }
0x4b: {  	[tilespmem:s21], [sflag:$0x1] =	stream.linear.gather [hbm4b:s15+s3], $0x80, $0x38;
	[tilespmem:$0x1BE00] =	vst v63  }
0x4c: {  	s5 =	simm.s32 $0x0  }
0x4d: {  	[spmem:s2] =	stream.indirect.scatter.add.f32 [tilespmem:s29], [sflag:$0x5], $0x80, s23, s21, $0xb8;
	[tilespmem:$0x1BE00] =	vst v63  }
.LBB2_2:
0x4e: {  	_ =	swait.ge [sflag:s31], $0x4000  }
0x4f: {  	[sflag:s31] =	ssyncset.done $0x0  }
0x50: {  	s6 =	sadd.s32 s5, s19;
	[sflag:s31] =	ssyncadd.s32 $0xFFFFC000  }
0x51: {  	[tilespmem:s22], [sflag:$0x2] =	stream.linear.gather [hbm4b:s6+s3], $0x80, $0x38;
	[tilespmem:$0x1BE00] =	vst v63  }
0x52: {  	s6 =	sadd.s32 s5, s18  }
0x53: {  	[tilespmem:s23], [sflag:$0x2] =	stream.linear.gather [hbm4b:s6+s3], $0x80, $0x38;
	[tilespmem:$0x1BE00] =	vst v63  }
0x54: {  	_ =	swait.ge [sflag:s24], $0x80  }
0x55: {  	[sflag:s24] =	ssyncset.done $0x0  }
0x56: {  	[sflag:s24] =	ssyncadd.s32 $0xFFFFFF80  }
0x57: {  	_ =	swait.ge [sflag:s24], $0x80  }
0x58: {  	[sflag:s24] =	ssyncset.done $0x0  }
0x59: {  	[sflag:s24] =	ssyncadd.s32 $0xFFFFFF80  }
0x5a: {  	[tilespmem:s25], [sflag:$0x3] =	stream.indirect.gather [hbm4b:s4+s21], $0x80, s3, s21, $0xb8;
	[tilespmem:$0x1BE00] =	vst v63  }
0x5b: {  	_ =	swait.ge [sflag:s26], $0x4000  }
0x5c: {  	[sflag:s26] =	ssyncset.done $0x0  }
0x5d: {  	[sflag:s26] =	ssyncadd.s32 $0xFFFFC000  }
0x5e: {  	[spmem:s2] =	stream.indirect.scatter.add.f32 [tilespmem:s25], [sflag:$0x4], $0x80, s21, s21, $0xb8;
	[tilespmem:$0x1BE00] =	vst v63  }
0x5f: {  	_ =	swait.ge [sflag:s28], $0x80  }
0x60: {  	[sflag:s28] =	ssyncset.done $0x0  }
0x61: {  	[sflag:s28] =	ssyncadd.s32 $0xFFFFFF80  }
0x62: {  	_ =	swait.ge [sflag:s28], $0x80  }
0x63: {  	[sflag:s28] =	ssyncset.done $0x0  }
0x64: {  	[sflag:s28] =	ssyncadd.s32 $0xFFFFFF80  }
0x65: {  	[tilespmem:s29], [sflag:$0x3] =	stream.indirect.gather [hbm4b:s4+s21], $0x80, s22, s21, $0xb8;
	[tilespmem:$0x1BE00] =	vst v63  }
0x66: {  	p0 =	sne.s32 s5, $0x4C0;
	_ =	swait.ge [sflag:s26], $0x4000  }
.Ltmp2:
0x67: {  	[sflag:s26] =	ssyncset.done $0x0;
	(pc) =	sbr.rel @!p0 .LBB2_3-.Ltmp2, $4  }
0x68: {  	[sflag:s26] =	ssyncadd.s32 $0xFFFFC000  }
0x69: {  	_ =	swait.ge [sflag:s30], $0x4000  }
0x6a: {  	[sflag:s30] =	ssyncset.done $0x0  }
0x6b: {  	[sflag:s30] =	ssyncadd.s32 $0xFFFFC000  }
0x6c: {  	s6 =	sadd.s32 s5, s17  }
0x6d: {  	[tilespmem:s3], [sflag:$0x1] =	stream.linear.gather [hbm4b:s6+s3], $0x80, $0x38;
	[tilespmem:$0x1BE00] =	vst v63  }
0x6e: {  	s6 =	sadd.s32 s5, s16;
	s5 =	sadd.s32 $0x20, s5  }
0x6f: {  	p0 =	sne.s32 s5, $0x4E0  }
.Ltmp3:
0x70: {  	_ = 	snop;
	(pc) =	sbr.rel @p0 .LBB2_2-.Ltmp3, $4  }
.Ltmp4:
0x71: {  	_ = 	snop;
	(pc) =	sbr.rel @!p0 .LBB2_5-.Ltmp4, $4  }
0x72: {  	[tilespmem:s21], [sflag:$0x1] =	stream.linear.gather [hbm4b:s6+s3], $0x80, $0x38;
	[tilespmem:$0x1BE00] =	vst v63  }
0x73: {  	_ = 	snop  }
0x74: {  	[spmem:s2] =	stream.indirect.scatter.add.f32 [tilespmem:s29], [sflag:$0x5], $0x80, s23, s21, $0xb8;
	[tilespmem:$0x1BE00] =	vst v63  }
0x75: {  	_ = 	snop  }
.LBB2_6:
0x76: {  	_ =	sfence.sel $0x180000  }
0x77: {  	[bflag:$0x0] =	sbarrier.arrive $0xFFFF  }
0x78: {  	_ =	strace $0x9000004A  }
0x79: {  	s0 =	stileid.u32;
	[bflag:$0x2] =	sbarrier.arrive $0xFFFF  }
0x7a: {  	p0 =	sne.s32 s0, $0x0;
	s0 =	rddreg [dreg:$0x4]  }
0x7b: {  	s0 =	sadd.s32 @!p0 $0x100000, s0  }
0x7c: {  	[sflag:s0] =	ssyncadd.tile.s32 @!p0 $0x1;
	_ =	shalt  }
.Lfunc_end2:
_tile_overlayer_lowered:
.L_overlay_start_2:
0x7d: {  	(tag) =	ssettag $0x2  }
0x7e: {  	s0 =	rddreg [dreg:$0x0];
	s2 =	stileid.u32  }
0x7f: {  	s1 =	rddreg [dreg:$0x1];
	p0 =	sne.s32 s2, $0x0  }
0x80: {  	s3 =	rddreg [dreg:$0x2];
	[bflag:$0x3] =	sbarrier.arrive $0xFFFF;
	s2 =	simm.s32 @!p0 $0x1C06  }
0x81: {  	[timem:s3], [sflag:s2] =	dma.local @!p0 [hbm:s0], s1  }
0x82: {  	s0 =	simm.s32 @!p0 $0x6  }
0x83: {  	_ =	swait.ge @!p0 [sflag:s0], s1  }
0x84: {  	s1 =	ssub.s32 @!p0 $0x0, s1;
	[sflag:s0] =	ssyncset.done @!p0 $0x0  }
0x85: {  	[sflag:s0] =	ssyncadd.s32 @!p0 s1  }
0x86: {  	[bflag:$0x3] =	sbarrier.arrive $0xFFFF  }
0x87: {  	_ =	shalt  }

// kernel: kernel.17.cloned.1.call-start
scs
__scs_entry_jumppad:
0x0: {  	(pc) =	sbr.rel $0x88, $3  }
0x1: {  	(tag) =	ssettag $0x0;
	lr =	simm.s32 $0x1  }
0x2: {  	[smem:$0x3F95] =	sst lr;
	_ =	strace $0xD0000000  }
0x3: {  	_ = 	snop  }
0x4: {  	_ = 	snop  }
0x5: {  	_ = 	snop  }
0x6: {  	_ = 	snop  }
0x7: {  	_ = 	snop  }
__scs_overlays_trampoline_lowered:
0x8: {  	[smem:$0x3FA4] =	sst s0  }
0x9: {  	[smem:$0x3FA5] =	sst s1  }
0xa: {  	[smem:$0x3FA6] =	sst s2  }
0xb: {  	[smem:$0x3FA7] =	sst s3  }
0xc: {  	[smem:$0x3FA8] =	sst s4  }
0xd: {  	[smem:$0x3FA9] =	sst s5  }
0xe: {  	[smem:$0x3FAA] =	sst s6  }
0xf: {  	[smem:$0x3FAB] =	sst s7  }
0x10: {  	[smem:$0x3FAC] =	sst s8  }
0x11: {  	[smem:$0x3FAD] =	sst s9;
	s0 =	simm.s32 @!p0 $0x0  }
0x12: {  	s1 =	sld [smem:$0x3F93];
	s0 =	simm.s32 @p0 $0x1  }
0x13: {  	[smem:$0x3FAE] =	sst s0;
	s0 =	simm.s32 @!p1 $0x0  }
0x14: {  	s2 =	sld [smem:$0x3F92];
	s0 =	simm.s32 @p1 $0x1  }
0x15: {  	[smem:$0x3FAF] =	sst s0;
	s0 =	simm.s32 @!p2 $0x0  }
0x16: {  	s3 =	sld [smem:$0x3FDB];
	s0 =	simm.s32 @p2 $0x1  }
0x17: {  	s4 =	simm.s32 $0x1BF5;
	[smem:$0x3FB1] =	sst s0  }
0x18: {  	s0 =	sld [smem:$0x3F94];
	_ =	swait.ge [sflag:s4], $0x0  }
0x19: {  	s7 =	sld [smem:$0x3F95]  }
0x1a: {  	s8 =	sadd.s32 $0xFFFFE003, lr  }
0x1b: {  	s9 =	sadd.s32 $0xFFFFFEF7, lr;
	s5 =	simm.s32 $0xFFFFFFFF;
	p2 =	slt.u32 s8, $0xFFFFF086  }
0x1c: {  	p1 =	slt.u32 s9, $0xF7A;
	s5 =	simm.s32 @!p2 $0x0  }
0x1d: {  	s5 =	simm.s32 @p1 $0x1;
	p0 =	seq.s32 s7, s2  }
0x1e: {  	s7 =	smul.u32 @!p0 $0xF7A, s2;
	p2 =	seq.s32 @!p0 s5, $0x0  }
0x1f: {  	s9 =	smul.u32 $0xF7A, s1;
	s8 =	simm.s32 @!p0 $0x1BF5;
	p2 =	por !p2, p0  }
0x20: {  	[sflag:s8] =	ssyncset.s32 @!p0 $0xFFFFF086;
	s6 =	sadd.s32 @!p0 s3, s7;
	s7 =	simm.s32 @!p0 $0x108  }
0x21: {  	s3 =	sadd.s32 s3, s9;
	s6 =	sadd.s32 @!p0 $0x88, s6;
	s7 =	simm.s32 @p2 $0x1082  }
0x22: {  	[simem:s7], [sflag:s8] =	dma.local @!p0 [hbm:s6], $0xF7A  }
0x23: {  	s9 =	sor.u32 $0xD0000000, s2;
	s6 =	simm.s32 $0x108;
	_ =	swait.ge @!p0 [sflag:s8], $0x0  }
0x24: {  	s3 =	sadd.s32 $0x88, s3;
	s6 =	simm.s32 @!p1 $0x1082;
	[sflag:s4] =	ssyncset.s32 $0xFFFFF086  }
0x25: {  	[simem:s6], [sflag:s4] =	dma.local [hbm:s3], $0xF7A  }
0x26: {  	[smem:$0x3F95] =	sst s1;
	(tag) =	ssettag s2;
	_ =	strace s9  }
0x27: {  	s1 =	sld [smem:$0x3FA5]  }
0x28: {  	s2 =	sld [smem:$0x3FA6]  }
0x29: {  	s4 =	sld [smem:$0x3FA8]  }
0x2a: {  	p0 =	seq.s32 s5, $0x0;
	s5 =	sld [smem:$0x3FA9]  }
0x2b: {  	s6 =	sld [smem:$0x3FAA]  }
0x2c: {  	s7 =	sld [smem:$0x3FAB]  }
0x2d: {  	s3 =	simm.s32 $0x108;
	s8 =	sld [smem:$0x3FAC]  }
0x2e: {  	s3 =	simm.s32 @!p0 $0x1082;
	s9 =	sld [smem:$0x3FAD]  }
0x2f: {  	lr =	sadd.s32 s0, s3;
	s0 =	sld [smem:$0x3FA4]  }
0x30: {  	s3 =	sld [smem:$0x3FA7]  }
0x31: {  	[smem:$0x3FB0] =	sst s10  }
0x32: {  	s10 =	sld [smem:$0x3FAE];
	_ =	sdelay $0x3  }
0x33: {  	p0 =	seq.s32 s10, $0x1;
	s10 =	sld [smem:$0x3FB0];
	_ =	sdelay $0x3  }
0x34: {  	[smem:$0x3FB0] =	sst s10  }
0x35: {  	s10 =	sld [smem:$0x3FAF];
	_ =	sdelay $0x3  }
0x36: {  	p1 =	seq.s32 s10, $0x1;
	s10 =	sld [smem:$0x3FB0];
	_ =	sdelay $0x3  }
0x37: {  	[smem:$0x3FB0] =	sst s10  }
0x38: {  	s10 =	sld [smem:$0x3FB1]  }
0x39: {  	_ = 	snop;
	(pc) =	sbr.ind lr, $3  }
0x3a: {  	_ = 	snop  }
0x3b: {  	_ = 	snop  }
0x3c: {  	p2 =	seq.s32 s10, $0x1;
	s10 =	sld [smem:$0x3FB0]  }
0x3d: {  	_ =	shalt  }
0x3e: {  	_ =	shalt  }
0x3f: {  	_ =	shalt  }
0x40: {  	_ =	shalt  }
0x41: {  	_ =	shalt  }
0x42: {  	_ =	shalt  }
0x43: {  	_ =	shalt  }
0x44: {  	_ =	shalt  }
0x45: {  	_ =	shalt  }
0x46: {  	_ =	shalt  }
0x47: {  	_ =	shalt  }
0x48: {  	_ =	shalt  }
0x49: {  	_ =	shalt  }
0x4a: {  	_ =	shalt  }
0x4b: {  	_ =	shalt  }
0x4c: {  	_ =	shalt  }
0x4d: {  	_ =	shalt  }
0x4e: {  	_ =	shalt  }
0x4f: {  	_ =	shalt  }
0x50: {  	_ =	shalt  }
0x51: {  	_ =	shalt  }
0x52: {  	_ =	shalt  }
0x53: {  	_ =	shalt  }
0x54: {  	_ =	shalt  }
0x55: {  	_ =	shalt  }
0x56: {  	_ =	shalt  }
0x57: {  	_ =	shalt  }
0x58: {  	_ =	shalt  }
0x59: {  	_ =	shalt  }
0x5a: {  	_ =	shalt  }
0x5b: {  	_ =	shalt  }
0x5c: {  	_ =	shalt  }
0x5d: {  	_ =	shalt  }
0x5e: {  	_ =	shalt  }
0x5f: {  	_ =	shalt  }
0x60: {  	_ =	shalt  }
0x61: {  	_ =	shalt  }
0x62: {  	_ =	shalt  }
0x63: {  	_ =	shalt  }
0x64: {  	_ =	shalt  }
0x65: {  	_ =	shalt  }
0x66: {  	_ =	shalt  }
0x67: {  	_ =	shalt  }
0x68: {  	_ =	shalt  }
0x69: {  	_ =	shalt  }
0x6a: {  	_ =	shalt  }
0x6b: {  	_ =	shalt  }
0x6c: {  	_ =	shalt  }
0x6d: {  	_ =	shalt  }
0x6e: {  	_ =	shalt  }
0x6f: {  	_ =	shalt  }
0x70: {  	_ =	shalt  }
0x71: {  	_ =	shalt  }
0x72: {  	_ =	shalt  }
0x73: {  	_ =	shalt  }
0x74: {  	_ =	shalt  }
0x75: {  	_ =	shalt  }
0x76: {  	_ =	shalt  }
0x77: {  	_ =	shalt  }
0x78: {  	_ =	shalt  }
0x79: {  	_ =	shalt  }
0x7a: {  	_ =	shalt  }
0x7b: {  	_ =	shalt  }
0x7c: {  	_ =	shalt  }
0x7d: {  	_ =	shalt  }
0x7e: {  	_ =	shalt  }
0x7f: {  	_ =	shalt  }
0x80: {  	_ =	shalt  }
0x81: {  	_ =	shalt  }
0x82: {  	_ =	shalt  }
0x83: {  	_ =	shalt  }
0x84: {  	_ =	shalt  }
0x85: {  	_ =	shalt  }
0x86: {  	_ =	shalt  }
0x87: {  	_ =	shalt  }
.Lfunc_end0:
.L_simem_size_0:
called_computation.2_lowered:
.L_overlay_start_0:
0x88: {  	s2 =	sld [smem:$0x3FD9]  }
0x89: {  	s3 =	sld [smem:$0x3FFE];
	_ =	sdelay $0x1  }
0x8a: {  	s1 =	srdreg.scid  }
0x8b: {  	s0 =	sand.u32 $0x1, s1  }
0x8c: {  	s14 =	sshll.u32 s0, $0xA;
	s2 =	sadd.s32 s3, s2  }
0x8d: {  	s2 =	sadd.s32 s2, s14  }
0x8e: {  	[smem:$0x3FBC] =	sst s2  }
0x8f: {  	_ = 	snop  }
0x90: {  	s2 =	sld [smem:$0x3FD0];
	_ =	sdelay $0x2  }
0x91: {  	s15 =	simm.s32 $0xA;
	s4 =	simm.s32 $0x10  }
0x92: {  	[smem:s4], [sflag:s15] =	dma.local [hbm:s2], $0x1  }
0x93: {  	_ =	swait.eq [sflag:s15], $0x1  }
0x94: {  	[sflag:s15] =	ssyncset.done $0x0  }
0x95: {  	s16 =	sld [smem:$0x10];
	[sflag:s15] =	ssyncadd.s32 $0xFFFFFFFF  }
0x96: {  	s17 =	sld [smem:$0x11];
	(tm) =	ssettm $0x1  }
0x97: {  	s18 =	sld [smem:$0x3FFB];
	_ =	sdelay $0x3  }
0x98: {  	_ =	strace s18  }
0x99: {  	s4 =	sld [smem:$0x3FFC];
	_ =	sdelay $0x3  }
0x9a: {  	_ =	strace s4  }
0x9b: {  	s4 =	sld [smem:$0x3FFD];
	_ =	sdelay $0x3  }
0x9c: {  	_ =	strace s4  }
0x9d: {  	_ =	strace $0x8FFFFFFF  }
0x9e: {  	s19 =	sld [smem:$0x3FDB];
	_ =	sdelay $0x1  }
0x9f: {  	s5 =	simm.s32 $_scs_section_size  }
0xa0: {  	s6 =	simm.s32 $_size__tile_overlayer_lowered;
	s7 =	simm.s32 $_tile_overlayer_lowered  }
0xa1: {  	s22 =	simm.s32 $0x1BFF;
	s21 =	sshll.u32 s7, $0x1;
	s4 =	sadd.s32 s5, s19  }
0xa2: {  	s8 =	simm.s32 $0x0;
	s20 =	sshll.u32 s6, $0x1;
	s6 =	sadd.s32 s21, s4  }
0xa3: {  	[timem:s8], [sflag:s22] =	dma.local [hbm:s6], s20  }
0xa4: {  	_ =	swait.ge [sflag:s22], s20  }
0xa5: {  	s5 =	ssub.s32 $0x0, s20;
	[sflag:s22] =	ssyncset.done $0x0  }
0xa6: {  	[sflag:s22] =	ssyncadd.s32 s5;
	_ =	sdelay $0x1  }
0xa7: {  	s23 =	simm.s32 $0x1B8B  }
0xa8: {  	_ =	swait.ge [sflag:s23], $0x1  }
0xa9: {  	[sflag:s23] =	ssyncset.done $0x0  }
0xaa: {  	s25 =	simm.s32 $0x1B8E;
	s24 =	sld [smem:$0x3FFE];
	[sflag:s23] =	ssyncadd.s32 $0xFFFFFFFF  }
0xab: {  	s26 =	simm.s32 $execute0_lowered;
	[smem:$0x3FD2] =	sst s25  }
0xac: {  	s6 =	sshll.u32 s26, $0x1;
	_ =	strace $0x8000004C;
	[dreg:$0x1] =	wrdreg $0xFFFFFFFF  }
0xad: {  	s28 =	simm.s32 $_size_execute0_lowered;
	s4 =	sadd.s32 s4, s6;
	[dreg:$0x0] =	wrdreg $0x0  }
0xae: {  	s6 =	sshll.u32 s28, $0x1;
	[dreg:$0x2] =	wrdreg s4  }
0xaf: {  	[dreg:$0x3] =	wrdreg s6  }
0xb0: {  	[dreg:$0x4] =	wrdreg $0xC0  }
0xb1: {  	_ =	task [dreg:s8], $0x5FFFF  }
0xb2: {  	[dreg:$0x1] =	wrdreg $0xFFFFFFFF  }
0xb3: {  	[dreg:$0x0] =	wrdreg $0x60  }
0xb4: {  	[dreg:$0x2] =	wrdreg s24  }
0xb5: {  	[dreg:$0x3] =	wrdreg s17  }
0xb6: {  	[dreg:$0x4] =	wrdreg s16  }
0xb7: {  	[dreg:$0x5] =	wrdreg $0x82000  }
0xb8: {  	[dreg:$0x6] =	wrdreg $0x9  }
0xb9: {  	_ =	task.clear_ibuf [dreg:s8], $0x7FFFF;
	_ =	strace $0x9000004C  }
0xba: {  	s29 =	simm.s32 $0x9;
	_ =	strace $0x8000004E  }
0xbb: {  	_ =	swait.ge [sflag:s29], $0x1  }
0xbc: {  	[sflag:s29] =	ssyncadd.s32 $0xFFFFFFFF  }
0xbd: {  	_ =	strace $0x9000004E  }
0xbe: {  	_ =	sfence  }
0xbf: {  	s30 =	sld [smem:$0x0];
	_ =	sdelay $0x2  }
0xc0: {  	s31 =	sshll.u32 s1, $0xD;
	s1 =	sshrl.u32 s1, $0x2  }
0xc1: {  	s3 =	sand.u32 $0x4000, s31;
	s1 =	sadd.s32 s1, s30  }
0xc2: {  	s0 =	sor.u32 s3, s0;
	s1 =	sshll.u32 s1, $0x11  }
0xc3: {  	s0 =	sor.u32 s1, s0  }
0xc4: {  	s0 =	sadd.s32 $0x8F2B, s0  }
0xc5: {  	[sflag:s0] =	ssyncadd.remote.s32 $0x1  }
0xc6: {  	_ =	sfence.sel $0xFFFF  }
0xc7: {  	[dreg:$0x0] =	wrdreg $0xFFFFFFFF;
	(pc) =	sbr.abs _section_cstart, $3  }
0xc8: {  	[dreg:$0x1] =	wrdreg $0xFFFFFFFF  }
0xc9: {  	_ =	task.clear_ibuf [dreg:s8], $0x2FFFF;
	_ =	strace $0x9FFFFFFF  }
0xca: {  	(tm) =	ssettm $0x7FFFFFFF  }
0xcb: {  	_ =	shalt  }
tec
execute0_lowered:
.L_overlay_start_1:
0x0: {  	(tag) =	ssettag $0x1  }
0x1: {  	s0 =	rddreg [dreg:$0x0]  }
0x2: {  	s1 =	rddreg [dreg:$0x1]  }
0x3: {  	s5 =	rddreg [dreg:$0x2]  }
0x4: {  	s2 =	rddreg [dreg:$0x3]  }
0x5: {  	s3 =	simm.s32 $0x0;
	s13 =	stileid.u32;
	s4 =	srdreg.scid  }
0x6: {  	s28 =	simm.s32 $0x2;
	s29 =	simm.s32 $0x4200;
	s30 =	simm.s32 $0x4  }
0x7: {  	s31 =	simm.s32 $0x5;
	[smem:$0x7FF] =	sst s3;
	s6 =	smul.u32 $0x2780, s13  }
0x8: {  	s10 =	sand.u32 $0x1, s4;
	s4 =	sadd.s32 $0x2E00, s0;
	s9 =	smul.u32 $0x4F000, s13  }
0x9: {  	s11 =	sshll.u32 s13, $0x1;
	s21 =	sshll.u32 s13, $0x6;
	s13 =	smul.u32 $0x5000, s13  }
0xa: {  	_ =	strace $0x8000004D;
	s7 =	smul.u32 $0x27800, s10;
	s18 =	ssub.s32 $0x2, s10  }
0xb: {  	s11 =	sor.u32 s10, s11;
	s15 =	smul.u32 $0x2800, s10;
	s8 =	sadd.s32 s6, s0  }
0xc: {  	s12 =	sshrl.u32 s18, $0x1;
	s9 =	sshrl.u32 s9, $0x2;
	s11 =	smul.u32 $0x2800, s11  }
0xd: {  	s6 =	sadd.s32 s6, s7;
	s12 =	ssub.s32 s18, s12;
	s19 =	sadd.s32 s9, s2  }
0xe: {  	s20 =	sadd.s32 $0x2A600, s8;
	s7 =	sor.u32 $0x1C06, s21;
	s15 =	sadd.s32 s15, s13  }
0xf: {  	s21 =	simm.s32 $0x80;
	s0 =	sadd.s32 s6, s0;
	[dreg:$0x5] =	wrdreg s19  }
0x10: {  	[dreg:$0x6] =	wrdreg s20;
	s22 =	sshrl.u32 s11, $0x3;
	s14 =	sor.u32 $0x80, s11  }
0x11: {  	s16 =	sor.u32 $0x100, s11;
	s11 =	smax.u32 s12, $0x1;
	s25 =	sor.u32 $0x200, s15  }
0x12: {  	s18 =	sor.u32 $0x180, s15;
	s20 =	simm.s32 $0x6;
	s8 =	sadd.s32 s1, s22  }
0x13: {  	s9 =	sadd.s32 s5, s22;
	s10 =	sadd.s32 $0x51E00, s0;
	s23 =	sshrl.u32 s14, $0x3  }
0x14: {  	s24 =	sshrl.u32 s16, $0x3;
	s17 =	sshrl.u32 s25, $0x3;
	s26 =	sshrl.u32 s18, $0x3  }
.Ltmp0:
0x15: {  	s22 =	simm.s32 $0x100;
	s25 =	simm.s32 $0x200;
	(pc) =	sbr.rel .LBB2_1-.Ltmp0, $4  }
0x16: {  	s0 =	simm.s32 $0x0;
	s12 =	sadd.s32 s1, s23;
	s13 =	sadd.s32 s5, s23  }
0x17: {  	s14 =	sadd.s32 s1, s24;
	s15 =	sadd.s32 s5, s24;
	s16 =	sadd.s32 s17, s5  }
0x18: {  	s17 =	sadd.s32 s17, s1;
	s18 =	sadd.s32 s26, s5;
	s19 =	sadd.s32 s26, s1  }
0x19: {  	s23 =	simm.s32 $0x180;
	s24 =	simm.s32 $0x1;
	s26 =	simm.s32 $0x3  }
.LBB2_3:
0x1a: {  	[spmem:s2] =	stream.indirect.scatter.add.f32 [tilespmem:s29], [sflag:$0x5], $0x80, s23, s21, $0xb8;
	[tilespmem:$0x1BE00] =	vst v63  }
.LBB2_5:
0x1b: {  	_ =	swait.ge [sflag:s31], $0x4000  }
0x1c: {  	s0 =	sadd.s32 $0x1, s0;
	[sflag:s31] =	ssyncset.done $0x0  }
0x1d: {  	p0 =	sne.s32 s0, s11;
	[sflag:s31] =	ssyncadd.s32 $0xFFFFC000  }
.Ltmp1:
0x1e: {  	[bflag:$0x0] =	sbarrier.arrive $0xFFFF;
	(pc) =	sbr.rel @!p0 .LBB2_6-.Ltmp1, $4  }
0x1f: {  	[hbm:s10], [sflag:s7] =	dma.local [spmem:s1], $0x2780  }
0x20: {  	_ =	swait.ge [sflag:s20], $0x2780  }
0x21: {  	[sflag:s20] =	ssyncset.done $0x0  }
0x22: {  	[sflag:s20] =	ssyncadd.s32 $0xFFFFD880  }
.LBB2_1:
0x23: {  	s1 =	rddreg [dreg:$0x5]  }
0x24: {  	s5 =	rddreg [dreg:$0x6];
	s1 =	sshrl.u32 s1, $0x3  }
0x25: {  	[spmem:s1], [sflag:s7] =	dma.local [hbm:s5], $0x2780  }
0x26: {  	_ =	swait.ge [sflag:s20], $0x2780  }
0x27: {  	[sflag:s20] =	ssyncset.done $0x0  }
0x28: {  	[sflag:s20] =	ssyncadd.s32 $0xFFFFD880  }
0x29: {  	[bflag:$0x0] =	sbarrier.arrive $0xFFFF  }
0x2a: {  	[tilespmem:s3], [sflag:$0x1] =	stream.linear.gather [hbm4b:s8+s3], $0x80, $0x38;
	[tilespmem:$0x1BE00] =	vst v63  }
0x2b: {  	_ = 	snop  }
0x2c: {  	[tilespmem:s21], [sflag:$0x1] =	stream.linear.gather [hbm4b:s9+s3], $0x80, $0x38;
	[tilespmem:$0x1BE00] =	vst v63  }
0x2d: {  	_ = 	snop  }
0x2e: {  	[tilespmem:s22], [sflag:$0x2] =	stream.linear.gather [hbm4b:s12+s3], $0x80, $0x38;
	[tilespmem:$0x1BE00] =	vst v63  }
0x2f: {  	_ = 	snop  }
0x30: {  	[tilespmem:s23], [sflag:$0x2] =	stream.linear.gather [hbm4b:s13+s3], $0x80, $0x38;
	[tilespmem:$0x1BE00] =	vst v63  }
0x31: {  	_ =	swait.ge [sflag:s24], $0x80  }
0x32: {  	[sflag:s24] =	ssyncset.done $0x0  }
0x33: {  	[sflag:s24] =	ssyncadd.s32 $0xFFFFFF80  }
0x34: {  	_ =	swait.ge [sflag:s24], $0x80  }
0x35: {  	[sflag:s24] =	ssyncset.done $0x0  }
0x36: {  	[sflag:s24] =	ssyncadd.s32 $0xFFFFFF80  }
0x37: {  	[tilespmem:s25], [sflag:$0x3] =	stream.indirect.gather [hbm4b:s4+s21], $0x80, s3, s21, $0xb8;
	[tilespmem:$0x1BE00] =	vst v63  }
0x38: {  	_ =	swait.ge [sflag:s26], $0x4000  }
0x39: {  	[sflag:s26] =	ssyncset.done $0x0  }
0x3a: {  	[sflag:s26] =	ssyncadd.s32 $0xFFFFC000  }
0x3b: {  	[spmem:s2] =	stream.indirect.scatter.add.f32 [tilespmem:s25], [sflag:$0x4], $0x80, s21, s21, $0xb8;
	[tilespmem:$0x1BE00] =	vst v63  }
0x3c: {  	_ =	swait.ge [sflag:s28], $0x80  }
0x3d: {  	[sflag:s28] =	ssyncset.done $0x0  }
0x3e: {  	[sflag:s28] =	ssyncadd.s32 $0xFFFFFF80  }
0x3f: {  	_ =	swait.ge [sflag:s28], $0x80  }
0x40: {  	[sflag:s28] =	ssyncset.done $0x0  }
0x41: {  	[sflag:s28] =	ssyncadd.s32 $0xFFFFFF80  }
0x42: {  	[tilespmem:s29], [sflag:$0x3] =	stream.indirect.gather [hbm4b:s4+s21], $0x80, s22, s21, $0xb8;
	[tilespmem:$0x1BE00] =	vst v63  }
0x43: {  	_ =	swait.ge [sflag:s26], $0x4000  }
0x44: {  	[sflag:s26] =	ssyncset.done $0x0  }
0x45: {  	[sflag:s26] =	ssyncadd.s32 $0xFFFFC000  }
0x46: {  	_ =	swait.ge [sflag:s30], $0x4000  }
0x47: {  	[sflag:s30] =	ssyncset.done $0x0  }
0x48: {  	[sflag:s30] =	ssyncadd.s32 $0xFFFFC000  }
0x49: {  	[tilespmem:s3], [sflag:$0x1] =	stream.linear.gather [hbm4b:s14+s3], $0x80, $0x38;
	[tilespmem:$0x1BE00] =	vst v63  }
0x4a: {  	_ = 	snop  }
0x4b: {  	[tilespmem:s21], [sflag:$0x1] =	stream.linear.gather [hbm4b:s15+s3], $0x80, $0x38;
	[tilespmem:$0x1BE00] =	vst v63  }
0x4c: {  	s5 =	simm.s32 $0x0  }
0x4d: {  	[spmem:s2] =	stream.indirect.scatter.add.f32 [tilespmem:s29], [sflag:$0x5], $0x80, s23, s21, $0xb8;
	[tilespmem:$0x1BE00] =	vst v63  }
.LBB2_2:
0x4e: {  	_ =	swait.ge [sflag:s31], $0x4000  }
0x4f: {  	[sflag:s31] =	ssyncset.done $0x0  }
0x50: {  	s6 =	sadd.s32 s5, s19;
	[sflag:s31] =	ssyncadd.s32 $0xFFFFC000  }
0x51: {  	[tilespmem:s22], [sflag:$0x2] =	stream.linear.gather [hbm4b:s6+s3], $0x80, $0x38;
	[tilespmem:$0x1BE00] =	vst v63  }
0x52: {  	s6 =	sadd.s32 s5, s18  }
0x53: {  	[tilespmem:s23], [sflag:$0x2] =	stream.linear.gather [hbm4b:s6+s3], $0x80, $0x38;
	[tilespmem:$0x1BE00] =	vst v63  }
0x54: {  	_ =	swait.ge [sflag:s24], $0x80  }
0x55: {  	[sflag:s24] =	ssyncset.done $0x0  }
0x56: {  	[sflag:s24] =	ssyncadd.s32 $0xFFFFFF80  }
0x57: {  	_ =	swait.ge [sflag:s24], $0x80  }
0x58: {  	[sflag:s24] =	ssyncset.done $0x0  }
0x59: {  	[sflag:s24] =	ssyncadd.s32 $0xFFFFFF80  }
0x5a: {  	[tilespmem:s25], [sflag:$0x3] =	stream.indirect.gather [hbm4b:s4+s21], $0x80, s3, s21, $0xb8;
	[tilespmem:$0x1BE00] =	vst v63  }
0x5b: {  	_ =	swait.ge [sflag:s26], $0x4000  }
0x5c: {  	[sflag:s26] =	ssyncset.done $0x0  }
0x5d: {  	[sflag:s26] =	ssyncadd.s32 $0xFFFFC000  }
0x5e: {  	[spmem:s2] =	stream.indirect.scatter.add.f32 [tilespmem:s25], [sflag:$0x4], $0x80, s21, s21, $0xb8;
	[tilespmem:$0x1BE00] =	vst v63  }
0x5f: {  	_ =	swait.ge [sflag:s28], $0x80  }
0x60: {  	[sflag:s28] =	ssyncset.done $0x0  }
0x61: {  	[sflag:s28] =	ssyncadd.s32 $0xFFFFFF80  }
0x62: {  	_ =	swait.ge [sflag:s28], $0x80  }
0x63: {  	[sflag:s28] =	ssyncset.done $0x0  }
0x64: {  	[sflag:s28] =	ssyncadd.s32 $0xFFFFFF80  }
0x65: {  	[tilespmem:s29], [sflag:$0x3] =	stream.indirect.gather [hbm4b:s4+s21], $0x80, s22, s21, $0xb8;
	[tilespmem:$0x1BE00] =	vst v63  }
0x66: {  	p0 =	sne.s32 s5, $0x4C0;
	_ =	swait.ge [sflag:s26], $0x4000  }
.Ltmp2:
0x67: {  	[sflag:s26] =	ssyncset.done $0x0;
	(pc) =	sbr.rel @!p0 .LBB2_3-.Ltmp2, $4  }
0x68: {  	[sflag:s26] =	ssyncadd.s32 $0xFFFFC000  }
0x69: {  	_ =	swait.ge [sflag:s30], $0x4000  }
0x6a: {  	[sflag:s30] =	ssyncset.done $0x0  }
0x6b: {  	[sflag:s30] =	ssyncadd.s32 $0xFFFFC000  }
0x6c: {  	s6 =	sadd.s32 s5, s17  }
0x6d: {  	[tilespmem:s3], [sflag:$0x1] =	stream.linear.gather [hbm4b:s6+s3], $0x80, $0x38;
	[tilespmem:$0x1BE00] =	vst v63  }
0x6e: {  	s6 =	sadd.s32 s5, s16;
	s5 =	sadd.s32 $0x20, s5  }
0x6f: {  	p0 =	sne.s32 s5, $0x4E0  }
.Ltmp3:
0x70: {  	_ = 	snop;
	(pc) =	sbr.rel @p0 .LBB2_2-.Ltmp3, $4  }
.Ltmp4:
0x71: {  	_ = 	snop;
	(pc) =	sbr.rel @!p0 .LBB2_5-.Ltmp4, $4  }
0x72: {  	[tilespmem:s21], [sflag:$0x1] =	stream.linear.gather [hbm4b:s6+s3], $0x80, $0x38;
	[tilespmem:$0x1BE00] =	vst v63  }
0x73: {  	_ = 	snop  }
0x74: {  	[spmem:s2] =	stream.indirect.scatter.add.f32 [tilespmem:s29], [sflag:$0x5], $0x80, s23, s21, $0xb8;
	[tilespmem:$0x1BE00] =	vst v63  }
0x75: {  	_ = 	snop  }
.LBB2_6:
0x76: {  	_ =	sfence.sel $0x180000  }
0x77: {  	[bflag:$0x0] =	sbarrier.arrive $0xFFFF  }
0x78: {  	_ =	strace $0x9000004D  }
0x79: {  	s0 =	stileid.u32;
	[bflag:$0x2] =	sbarrier.arrive $0xFFFF  }
0x7a: {  	p0 =	sne.s32 s0, $0x0;
	s0 =	rddreg [dreg:$0x4]  }
0x7b: {  	s0 =	sadd.s32 @!p0 $0x100000, s0  }
0x7c: {  	[sflag:s0] =	ssyncadd.tile.s32 @!p0 $0x1;
	_ =	shalt  }
.Lfunc_end2:
_tile_overlayer_lowered:
.L_overlay_start_2:
0x7d: {  	(tag) =	ssettag $0x2  }
0x7e: {  	s0 =	rddreg [dreg:$0x0];
	s2 =	stileid.u32  }
0x7f: {  	s1 =	rddreg [dreg:$0x1];
	p0 =	sne.s32 s2, $0x0  }
0x80: {  	s3 =	rddreg [dreg:$0x2];
	[bflag:$0x3] =	sbarrier.arrive $0xFFFF;
	s2 =	simm.s32 @!p0 $0x1C06  }
0x81: {  	[timem:s3], [sflag:s2] =	dma.local @!p0 [hbm:s0], s1  }
0x82: {  	s0 =	simm.s32 @!p0 $0x6  }
0x83: {  	_ =	swait.ge @!p0 [sflag:s0], s1  }
0x84: {  	s1 =	ssub.s32 @!p0 $0x0, s1;
	[sflag:s0] =	ssyncset.done @!p0 $0x0  }
0x85: {  	[sflag:s0] =	ssyncadd.s32 @!p0 s1  }
0x86: {  	[bflag:$0x3] =	sbarrier.arrive $0xFFFF  }
0x87: {  	_ =	shalt  }

// kernel: kernel.20.cloned.1.call-start
scs
__scs_entry_jumppad:
0x0: {  	(pc) =	sbr.rel $0x88, $3  }
0x1: {  	(tag) =	ssettag $0x0;
	lr =	simm.s32 $0x1  }
0x2: {  	[smem:$0x3F95] =	sst lr;
	_ =	strace $0xD0000000  }
0x3: {  	_ = 	snop  }
0x4: {  	_ = 	snop  }
0x5: {  	_ = 	snop  }
0x6: {  	_ = 	snop  }
0x7: {  	_ = 	snop  }
__scs_overlays_trampoline_lowered:
0x8: {  	[smem:$0x3FA4] =	sst s0  }
0x9: {  	[smem:$0x3FA5] =	sst s1  }
0xa: {  	[smem:$0x3FA6] =	sst s2  }
0xb: {  	[smem:$0x3FA7] =	sst s3  }
0xc: {  	[smem:$0x3FA8] =	sst s4  }
0xd: {  	[smem:$0x3FA9] =	sst s5  }
0xe: {  	[smem:$0x3FAA] =	sst s6  }
0xf: {  	[smem:$0x3FAB] =	sst s7  }
0x10: {  	[smem:$0x3FAC] =	sst s8  }
0x11: {  	[smem:$0x3FAD] =	sst s9;
	s0 =	simm.s32 @!p0 $0x0  }
0x12: {  	s1 =	sld [smem:$0x3F93];
	s0 =	simm.s32 @p0 $0x1  }
0x13: {  	[smem:$0x3FAE] =	sst s0;
	s0 =	simm.s32 @!p1 $0x0  }
0x14: {  	s2 =	sld [smem:$0x3F92];
	s0 =	simm.s32 @p1 $0x1  }
0x15: {  	[smem:$0x3FAF] =	sst s0;
	s0 =	simm.s32 @!p2 $0x0  }
0x16: {  	s3 =	sld [smem:$0x3FDB];
	s0 =	simm.s32 @p2 $0x1  }
0x17: {  	s4 =	simm.s32 $0x1BF5;
	[smem:$0x3FB1] =	sst s0  }
0x18: {  	s0 =	sld [smem:$0x3F94];
	_ =	swait.ge [sflag:s4], $0x0  }
0x19: {  	s7 =	sld [smem:$0x3F95]  }
0x1a: {  	s8 =	sadd.s32 $0xFFFFE003, lr  }
0x1b: {  	s9 =	sadd.s32 $0xFFFFFEF7, lr;
	s5 =	simm.s32 $0xFFFFFFFF;
	p2 =	slt.u32 s8, $0xFFFFF086  }
0x1c: {  	p1 =	slt.u32 s9, $0xF7A;
	s5 =	simm.s32 @!p2 $0x0  }
0x1d: {  	s5 =	simm.s32 @p1 $0x1;
	p0 =	seq.s32 s7, s2  }
0x1e: {  	s7 =	smul.u32 @!p0 $0xF7A, s2;
	p2 =	seq.s32 @!p0 s5, $0x0  }
0x1f: {  	s9 =	smul.u32 $0xF7A, s1;
	s8 =	simm.s32 @!p0 $0x1BF5;
	p2 =	por !p2, p0  }
0x20: {  	[sflag:s8] =	ssyncset.s32 @!p0 $0xFFFFF086;
	s6 =	sadd.s32 @!p0 s3, s7;
	s7 =	simm.s32 @!p0 $0x108  }
0x21: {  	s3 =	sadd.s32 s3, s9;
	s6 =	sadd.s32 @!p0 $0x88, s6;
	s7 =	simm.s32 @p2 $0x1082  }
0x22: {  	[simem:s7], [sflag:s8] =	dma.local @!p0 [hbm:s6], $0xF7A  }
0x23: {  	s9 =	sor.u32 $0xD0000000, s2;
	s6 =	simm.s32 $0x108;
	_ =	swait.ge @!p0 [sflag:s8], $0x0  }
0x24: {  	s3 =	sadd.s32 $0x88, s3;
	s6 =	simm.s32 @!p1 $0x1082;
	[sflag:s4] =	ssyncset.s32 $0xFFFFF086  }
0x25: {  	[simem:s6], [sflag:s4] =	dma.local [hbm:s3], $0xF7A  }
0x26: {  	[smem:$0x3F95] =	sst s1;
	(tag) =	ssettag s2;
	_ =	strace s9  }
0x27: {  	s1 =	sld [smem:$0x3FA5]  }
0x28: {  	s2 =	sld [smem:$0x3FA6]  }
0x29: {  	s4 =	sld [smem:$0x3FA8]  }
0x2a: {  	p0 =	seq.s32 s5, $0x0;
	s5 =	sld [smem:$0x3FA9]  }
0x2b: {  	s6 =	sld [smem:$0x3FAA]  }
0x2c: {  	s7 =	sld [smem:$0x3FAB]  }
0x2d: {  	s3 =	simm.s32 $0x108;
	s8 =	sld [smem:$0x3FAC]  }
0x2e: {  	s3 =	simm.s32 @!p0 $0x1082;
	s9 =	sld [smem:$0x3FAD]  }
0x2f: {  	lr =	sadd.s32 s0, s3;
	s0 =	sld [smem:$0x3FA4]  }
0x30: {  	s3 =	sld [smem:$0x3FA7]  }
0x31: {  	[smem:$0x3FB0] =	sst s10  }
0x32: {  	s10 =	sld [smem:$0x3FAE];
	_ =	sdelay $0x3  }
0x33: {  	p0 =	seq.s32 s10, $0x1;
	s10 =	sld [smem:$0x3FB0];
	_ =	sdelay $0x3  }
0x34: {  	[smem:$0x3FB0] =	sst s10  }
0x35: {  	s10 =	sld [smem:$0x3FAF];
	_ =	sdelay $0x3  }
0x36: {  	p1 =	seq.s32 s10, $0x1;
	s10 =	sld [smem:$0x3FB0];
	_ =	sdelay $0x3  }
0x37: {  	[smem:$0x3FB0] =	sst s10  }
0x38: {  	s10 =	sld [smem:$0x3FB1]  }
0x39: {  	_ = 	snop;
	(pc) =	sbr.ind lr, $3  }
0x3a: {  	_ = 	snop  }
0x3b: {  	_ = 	snop  }
0x3c: {  	p2 =	seq.s32 s10, $0x1;
	s10 =	sld [smem:$0x3FB0]  }
0x3d: {  	_ =	shalt  }
0x3e: {  	_ =	shalt  }
0x3f: {  	_ =	shalt  }
0x40: {  	_ =	shalt  }
0x41: {  	_ =	shalt  }
0x42: {  	_ =	shalt  }
0x43: {  	_ =	shalt  }
0x44: {  	_ =	shalt  }
0x45: {  	_ =	shalt  }
0x46: {  	_ =	shalt  }
0x47: {  	_ =	shalt  }
0x48: {  	_ =	shalt  }
0x49: {  	_ =	shalt  }
0x4a: {  	_ =	shalt  }
0x4b: {  	_ =	shalt  }
0x4c: {  	_ =	shalt  }
0x4d: {  	_ =	shalt  }
0x4e: {  	_ =	shalt  }
0x4f: {  	_ =	shalt  }
0x50: {  	_ =	shalt  }
0x51: {  	_ =	shalt  }
0x52: {  	_ =	shalt  }
0x53: {  	_ =	shalt  }
0x54: {  	_ =	shalt  }
0x55: {  	_ =	shalt  }
0x56: {  	_ =	shalt  }
0x57: {  	_ =	shalt  }
0x58: {  	_ =	shalt  }
0x59: {  	_ =	shalt  }
0x5a: {  	_ =	shalt  }
0x5b: {  	_ =	shalt  }
0x5c: {  	_ =	shalt  }
0x5d: {  	_ =	shalt  }
0x5e: {  	_ =	shalt  }
0x5f: {  	_ =	shalt  }
0x60: {  	_ =	shalt  }
0x61: {  	_ =	shalt  }
0x62: {  	_ =	shalt  }
0x63: {  	_ =	shalt  }
0x64: {  	_ =	shalt  }
0x65: {  	_ =	shalt  }
0x66: {  	_ =	shalt  }
0x67: {  	_ =	shalt  }
0x68: {  	_ =	shalt  }
0x69: {  	_ =	shalt  }
0x6a: {  	_ =	shalt  }
0x6b: {  	_ =	shalt  }
0x6c: {  	_ =	shalt  }
0x6d: {  	_ =	shalt  }
0x6e: {  	_ =	shalt  }
0x6f: {  	_ =	shalt  }
0x70: {  	_ =	shalt  }
0x71: {  	_ =	shalt  }
0x72: {  	_ =	shalt  }
0x73: {  	_ =	shalt  }
0x74: {  	_ =	shalt  }
0x75: {  	_ =	shalt  }
0x76: {  	_ =	shalt  }
0x77: {  	_ =	shalt  }
0x78: {  	_ =	shalt  }
0x79: {  	_ =	shalt  }
0x7a: {  	_ =	shalt  }
0x7b: {  	_ =	shalt  }
0x7c: {  	_ =	shalt  }
0x7d: {  	_ =	shalt  }
0x7e: {  	_ =	shalt  }
0x7f: {  	_ =	shalt  }
0x80: {  	_ =	shalt  }
0x81: {  	_ =	shalt  }
0x82: {  	_ =	shalt  }
0x83: {  	_ =	shalt  }
0x84: {  	_ =	shalt  }
0x85: {  	_ =	shalt  }
0x86: {  	_ =	shalt  }
0x87: {  	_ =	shalt  }
.Lfunc_end0:
.L_simem_size_0:
called_computation.3_lowered:
.L_overlay_start_0:
0x88: {  	s2 =	sld [smem:$0x3FD9]  }
0x89: {  	s3 =	sld [smem:$0x3FFE];
	_ =	sdelay $0x1  }
0x8a: {  	s1 =	srdreg.scid  }
0x8b: {  	s0 =	sand.u32 $0x1, s1  }
0x8c: {  	s14 =	sshll.u32 s0, $0xA;
	s2 =	sadd.s32 s3, s2  }
0x8d: {  	s2 =	sadd.s32 s2, s14  }
0x8e: {  	[smem:$0x3FBC] =	sst s2  }
0x8f: {  	_ = 	snop  }
0x90: {  	s2 =	sld [smem:$0x3FD0];
	_ =	sdelay $0x2  }
0x91: {  	s15 =	simm.s32 $0xA;
	s4 =	simm.s32 $0x10  }
0x92: {  	[smem:s4], [sflag:s15] =	dma.local [hbm:s2], $0x1  }
0x93: {  	_ =	swait.eq [sflag:s15], $0x1  }
0x94: {  	[sflag:s15] =	ssyncset.done $0x0  }
0x95: {  	s16 =	sld [smem:$0x10];
	[sflag:s15] =	ssyncadd.s32 $0xFFFFFFFF  }
0x96: {  	s17 =	sld [smem:$0x11];
	(tm) =	ssettm $0x1  }
0x97: {  	s18 =	sld [smem:$0x3FFB];
	_ =	sdelay $0x3  }
0x98: {  	_ =	strace s18  }
0x99: {  	s4 =	sld [smem:$0x3FFC];
	_ =	sdelay $0x3  }
0x9a: {  	_ =	strace s4  }
0x9b: {  	s4 =	sld [smem:$0x3FFD];
	_ =	sdelay $0x3  }
0x9c: {  	_ =	strace s4  }
0x9d: {  	_ =	strace $0x8FFFFFFF  }
0x9e: {  	s19 =	sld [smem:$0x3FDB];
	_ =	sdelay $0x1  }
0x9f: {  	s5 =	simm.s32 $_scs_section_size  }
0xa0: {  	s6 =	simm.s32 $_size__tile_overlayer_lowered;
	s7 =	simm.s32 $_tile_overlayer_lowered  }
0xa1: {  	s22 =	simm.s32 $0x1BFF;
	s21 =	sshll.u32 s7, $0x1;
	s4 =	sadd.s32 s5, s19  }
0xa2: {  	s8 =	simm.s32 $0x0;
	s20 =	sshll.u32 s6, $0x1;
	s6 =	sadd.s32 s21, s4  }
0xa3: {  	[timem:s8], [sflag:s22] =	dma.local [hbm:s6], s20  }
0xa4: {  	_ =	swait.ge [sflag:s22], s20  }
0xa5: {  	s5 =	ssub.s32 $0x0, s20;
	[sflag:s22] =	ssyncset.done $0x0  }
0xa6: {  	[sflag:s22] =	ssyncadd.s32 s5;
	_ =	sdelay $0x1  }
0xa7: {  	s23 =	simm.s32 $0x1B8B  }
0xa8: {  	_ =	swait.ge [sflag:s23], $0x1  }
0xa9: {  	[sflag:s23] =	ssyncset.done $0x0  }
0xaa: {  	s25 =	simm.s32 $0x1B8E;
	s24 =	sld [smem:$0x3FFE];
	[sflag:s23] =	ssyncadd.s32 $0xFFFFFFFF  }
0xab: {  	s26 =	simm.s32 $execute0_lowered;
	[smem:$0x3FD2] =	sst s25  }
0xac: {  	s6 =	sshll.u32 s26, $0x1;
	_ =	strace $0x8000004F;
	[dreg:$0x1] =	wrdreg $0xFFFFFFFF  }
0xad: {  	s28 =	simm.s32 $_size_execute0_lowered;
	s4 =	sadd.s32 s4, s6;
	[dreg:$0x0] =	wrdreg $0x0  }
0xae: {  	s6 =	sshll.u32 s28, $0x1;
	[dreg:$0x2] =	wrdreg s4  }
0xaf: {  	[dreg:$0x3] =	wrdreg s6  }
0xb0: {  	[dreg:$0x4] =	wrdreg $0xC0  }
0xb1: {  	_ =	task [dreg:s8], $0x5FFFF  }
0xb2: {  	[dreg:$0x1] =	wrdreg $0xFFFFFFFF  }
0xb3: {  	[dreg:$0x0] =	wrdreg $0x60  }
0xb4: {  	[dreg:$0x2] =	wrdreg s24  }
0xb5: {  	[dreg:$0x3] =	wrdreg s17  }
0xb6: {  	[dreg:$0x4] =	wrdreg s16  }
0xb7: {  	[dreg:$0x5] =	wrdreg $0x82000  }
0xb8: {  	[dreg:$0x6] =	wrdreg $0x9  }
0xb9: {  	_ =	task.clear_ibuf [dreg:s8], $0x7FFFF;
	_ =	strace $0x9000004F  }
0xba: {  	s29 =	simm.s32 $0x9;
	_ =	strace $0x80000051  }
0xbb: {  	_ =	swait.ge [sflag:s29], $0x1  }
0xbc: {  	[sflag:s29] =	ssyncadd.s32 $0xFFFFFFFF  }
0xbd: {  	_ =	strace $0x90000051  }
0xbe: {  	_ =	sfence  }
0xbf: {  	s30 =	sld [smem:$0x0];
	_ =	sdelay $0x2  }
0xc0: {  	s31 =	sshll.u32 s1, $0xD;
	s1 =	sshrl.u32 s1, $0x2  }
0xc1: {  	s3 =	sand.u32 $0x4000, s31;
	s1 =	sadd.s32 s1, s30  }
0xc2: {  	s0 =	sor.u32 s3, s0;
	s1 =	sshll.u32 s1, $0x11  }
0xc3: {  	s0 =	sor.u32 s1, s0  }
0xc4: {  	s0 =	sadd.s32 $0x8F2B, s0  }
0xc5: {  	[sflag:s0] =	ssyncadd.remote.s32 $0x1  }
0xc6: {  	_ =	sfence.sel $0xFFFF  }
0xc7: {  	[dreg:$0x0] =	wrdreg $0xFFFFFFFF;
	(pc) =	sbr.abs _section_cstart, $3  }
0xc8: {  	[dreg:$0x1] =	wrdreg $0xFFFFFFFF  }
0xc9: {  	_ =	task.clear_ibuf [dreg:s8], $0x2FFFF;
	_ =	strace $0x9FFFFFFF  }
0xca: {  	(tm) =	ssettm $0x7FFFFFFF  }
0xcb: {  	_ =	shalt  }
tec
execute0_lowered:
.L_overlay_start_1:
0x0: {  	(tag) =	ssettag $0x1  }
0x1: {  	s0 =	rddreg [dreg:$0x0]  }
0x2: {  	s1 =	rddreg [dreg:$0x1]  }
0x3: {  	s5 =	rddreg [dreg:$0x2]  }
0x4: {  	s2 =	rddreg [dreg:$0x3]  }
0x5: {  	s3 =	simm.s32 $0x0;
	s13 =	stileid.u32;
	s4 =	srdreg.scid  }
0x6: {  	s28 =	simm.s32 $0x2;
	s29 =	simm.s32 $0x4200;
	s30 =	simm.s32 $0x4  }
0x7: {  	s31 =	simm.s32 $0x5;
	[smem:$0x7FF] =	sst s3;
	s6 =	smul.u32 $0x2780, s13  }
0x8: {  	s10 =	sand.u32 $0x1, s4;
	s4 =	sadd.s32 $0x2E00, s0;
	s9 =	smul.u32 $0x4F000, s13  }
0x9: {  	s11 =	sshll.u32 s13, $0x1;
	s21 =	sshll.u32 s13, $0x6;
	s13 =	smul.u32 $0x5000, s13  }
0xa: {  	_ =	strace $0x80000050;
	s7 =	smul.u32 $0x27800, s10;
	s18 =	ssub.s32 $0x2, s10  }
0xb: {  	s11 =	sor.u32 s10, s11;
	s15 =	smul.u32 $0x2800, s10;
	s8 =	sadd.s32 s6, s0  }
0xc: {  	s12 =	sshrl.u32 s18, $0x1;
	s9 =	sshrl.u32 s9, $0x2;
	s11 =	smul.u32 $0x2800, s11  }
0xd: {  	s6 =	sadd.s32 s6, s7;
	s12 =	ssub.s32 s18, s12;
	s19 =	sadd.s32 s9, s2  }
0xe: {  	s20 =	sadd.s32 $0x2A600, s8;
	s7 =	sor.u32 $0x1C06, s21;
	s15 =	sadd.s32 s15, s13  }
0xf: {  	s21 =	simm.s32 $0x80;
	s0 =	sadd.s32 s6, s0;
	[dreg:$0x5] =	wrdreg s19  }
0x10: {  	[dreg:$0x6] =	wrdreg s20;
	s22 =	sshrl.u32 s11, $0x3;
	s14 =	sor.u32 $0x80, s11  }
0x11: {  	s16 =	sor.u32 $0x100, s11;
	s11 =	smax.u32 s12, $0x1;
	s25 =	sor.u32 $0x200, s15  }
0x12: {  	s18 =	sor.u32 $0x180, s15;
	s20 =	simm.s32 $0x6;
	s8 =	sadd.s32 s1, s22  }
0x13: {  	s9 =	sadd.s32 s5, s22;
	s10 =	sadd.s32 $0x51E00, s0;
	s23 =	sshrl.u32 s14, $0x3  }
0x14: {  	s24 =	sshrl.u32 s16, $0x3;
	s17 =	sshrl.u32 s25, $0x3;
	s26 =	sshrl.u32 s18, $0x3  }
.Ltmp0:
0x15: {  	s22 =	simm.s32 $0x100;
	s25 =	simm.s32 $0x200;
	(pc) =	sbr.rel .LBB2_1-.Ltmp0, $4  }
0x16: {  	s0 =	simm.s32 $0x0;
	s12 =	sadd.s32 s1, s23;
	s13 =	sadd.s32 s5, s23  }
0x17: {  	s14 =	sadd.s32 s1, s24;
	s15 =	sadd.s32 s5, s24;
	s16 =	sadd.s32 s17, s5  }
0x18: {  	s17 =	sadd.s32 s17, s1;
	s18 =	sadd.s32 s26, s5;
	s19 =	sadd.s32 s26, s1  }
0x19: {  	s23 =	simm.s32 $0x180;
	s24 =	simm.s32 $0x1;
	s26 =	simm.s32 $0x3  }
.LBB2_3:
0x1a: {  	[spmem:s2] =	stream.indirect.scatter.add.f32 [tilespmem:s29], [sflag:$0x5], $0x80, s23, s21, $0xb8;
	[tilespmem:$0x1BE00] =	vst v63  }
.LBB2_5:
0x1b: {  	_ =	swait.ge [sflag:s31], $0x4000  }
0x1c: {  	s0 =	sadd.s32 $0x1, s0;
	[sflag:s31] =	ssyncset.done $0x0  }
0x1d: {  	p0 =	sne.s32 s0, s11;
	[sflag:s31] =	ssyncadd.s32 $0xFFFFC000  }
.Ltmp1:
0x1e: {  	[bflag:$0x0] =	sbarrier.arrive $0xFFFF;
	(pc) =	sbr.rel @!p0 .LBB2_6-.Ltmp1, $4  }
0x1f: {  	[hbm:s10], [sflag:s7] =	dma.local [spmem:s1], $0x2780  }
0x20: {  	_ =	swait.ge [sflag:s20], $0x2780  }
0x21: {  	[sflag:s20] =	ssyncset.done $0x0  }
0x22: {  	[sflag:s20] =	ssyncadd.s32 $0xFFFFD880  }
.LBB2_1:
0x23: {  	s1 =	rddreg [dreg:$0x5]  }
0x24: {  	s5 =	rddreg [dreg:$0x6];
	s1 =	sshrl.u32 s1, $0x3  }
0x25: {  	[spmem:s1], [sflag:s7] =	dma.local [hbm:s5], $0x2780  }
0x26: {  	_ =	swait.ge [sflag:s20], $0x2780  }
0x27: {  	[sflag:s20] =	ssyncset.done $0x0  }
0x28: {  	[sflag:s20] =	ssyncadd.s32 $0xFFFFD880  }
0x29: {  	[bflag:$0x0] =	sbarrier.arrive $0xFFFF  }
0x2a: {  	[tilespmem:s3], [sflag:$0x1] =	stream.linear.gather [hbm4b:s8+s3], $0x80, $0x38;
	[tilespmem:$0x1BE00] =	vst v63  }
0x2b: {  	_ = 	snop  }
0x2c: {  	[tilespmem:s21], [sflag:$0x1] =	stream.linear.gather [hbm4b:s9+s3], $0x80, $0x38;
	[tilespmem:$0x1BE00] =	vst v63  }
0x2d: {  	_ = 	snop  }
0x2e: {  	[tilespmem:s22], [sflag:$0x2] =	stream.linear.gather [hbm4b:s12+s3], $0x80, $0x38;
	[tilespmem:$0x1BE00] =	vst v63  }
0x2f: {  	_ = 	snop  }
0x30: {  	[tilespmem:s23], [sflag:$0x2] =	stream.linear.gather [hbm4b:s13+s3], $0x80, $0x38;
	[tilespmem:$0x1BE00] =	vst v63  }
0x31: {  	_ =	swait.ge [sflag:s24], $0x80  }
0x32: {  	[sflag:s24] =	ssyncset.done $0x0  }
0x33: {  	[sflag:s24] =	ssyncadd.s32 $0xFFFFFF80  }
0x34: {  	_ =	swait.ge [sflag:s24], $0x80  }
0x35: {  	[sflag:s24] =	ssyncset.done $0x0  }
0x36: {  	[sflag:s24] =	ssyncadd.s32 $0xFFFFFF80  }
0x37: {  	[tilespmem:s25], [sflag:$0x3] =	stream.indirect.gather [hbm4b:s4+s21], $0x80, s3, s21, $0xb8;
	[tilespmem:$0x1BE00] =	vst v63  }
0x38: {  	_ =	swait.ge [sflag:s26], $0x4000  }
0x39: {  	[sflag:s26] =	ssyncset.done $0x0  }
0x3a: {  	[sflag:s26] =	ssyncadd.s32 $0xFFFFC000  }
0x3b: {  	[spmem:s2] =	stream.indirect.scatter.add.f32 [tilespmem:s25], [sflag:$0x4], $0x80, s21, s21, $0xb8;
	[tilespmem:$0x1BE00] =	vst v63  }
0x3c: {  	_ =	swait.ge [sflag:s28], $0x80  }
0x3d: {  	[sflag:s28] =	ssyncset.done $0x0  }
0x3e: {  	[sflag:s28] =	ssyncadd.s32 $0xFFFFFF80  }
0x3f: {  	_ =	swait.ge [sflag:s28], $0x80  }
0x40: {  	[sflag:s28] =	ssyncset.done $0x0  }
0x41: {  	[sflag:s28] =	ssyncadd.s32 $0xFFFFFF80  }
0x42: {  	[tilespmem:s29], [sflag:$0x3] =	stream.indirect.gather [hbm4b:s4+s21], $0x80, s22, s21, $0xb8;
	[tilespmem:$0x1BE00] =	vst v63  }
0x43: {  	_ =	swait.ge [sflag:s26], $0x4000  }
0x44: {  	[sflag:s26] =	ssyncset.done $0x0  }
0x45: {  	[sflag:s26] =	ssyncadd.s32 $0xFFFFC000  }
0x46: {  	_ =	swait.ge [sflag:s30], $0x4000  }
0x47: {  	[sflag:s30] =	ssyncset.done $0x0  }
0x48: {  	[sflag:s30] =	ssyncadd.s32 $0xFFFFC000  }
0x49: {  	[tilespmem:s3], [sflag:$0x1] =	stream.linear.gather [hbm4b:s14+s3], $0x80, $0x38;
	[tilespmem:$0x1BE00] =	vst v63  }
0x4a: {  	_ = 	snop  }
0x4b: {  	[tilespmem:s21], [sflag:$0x1] =	stream.linear.gather [hbm4b:s15+s3], $0x80, $0x38;
	[tilespmem:$0x1BE00] =	vst v63  }
0x4c: {  	s5 =	simm.s32 $0x0  }
0x4d: {  	[spmem:s2] =	stream.indirect.scatter.add.f32 [tilespmem:s29], [sflag:$0x5], $0x80, s23, s21, $0xb8;
	[tilespmem:$0x1BE00] =	vst v63  }
.LBB2_2:
0x4e: {  	_ =	swait.ge [sflag:s31], $0x4000  }
0x4f: {  	[sflag:s31] =	ssyncset.done $0x0  }
0x50: {  	s6 =	sadd.s32 s5, s19;
	[sflag:s31] =	ssyncadd.s32 $0xFFFFC000  }
0x51: {  	[tilespmem:s22], [sflag:$0x2] =	stream.linear.gather [hbm4b:s6+s3], $0x80, $0x38;
	[tilespmem:$0x1BE00] =	vst v63  }
0x52: {  	s6 =	sadd.s32 s5, s18  }
0x53: {  	[tilespmem:s23], [sflag:$0x2] =	stream.linear.gather [hbm4b:s6+s3], $0x80, $0x38;
	[tilespmem:$0x1BE00] =	vst v63  }
0x54: {  	_ =	swait.ge [sflag:s24], $0x80  }
0x55: {  	[sflag:s24] =	ssyncset.done $0x0  }
0x56: {  	[sflag:s24] =	ssyncadd.s32 $0xFFFFFF80  }
0x57: {  	_ =	swait.ge [sflag:s24], $0x80  }
0x58: {  	[sflag:s24] =	ssyncset.done $0x0  }
0x59: {  	[sflag:s24] =	ssyncadd.s32 $0xFFFFFF80  }
0x5a: {  	[tilespmem:s25], [sflag:$0x3] =	stream.indirect.gather [hbm4b:s4+s21], $0x80, s3, s21, $0xb8;
	[tilespmem:$0x1BE00] =	vst v63  }
0x5b: {  	_ =	swait.ge [sflag:s26], $0x4000  }
0x5c: {  	[sflag:s26] =	ssyncset.done $0x0  }
0x5d: {  	[sflag:s26] =	ssyncadd.s32 $0xFFFFC000  }
0x5e: {  	[spmem:s2] =	stream.indirect.scatter.add.f32 [tilespmem:s25], [sflag:$0x4], $0x80, s21, s21, $0xb8;
	[tilespmem:$0x1BE00] =	vst v63  }
0x5f: {  	_ =	swait.ge [sflag:s28], $0x80  }
0x60: {  	[sflag:s28] =	ssyncset.done $0x0  }
0x61: {  	[sflag:s28] =	ssyncadd.s32 $0xFFFFFF80  }
0x62: {  	_ =	swait.ge [sflag:s28], $0x80  }
0x63: {  	[sflag:s28] =	ssyncset.done $0x0  }
0x64: {  	[sflag:s28] =	ssyncadd.s32 $0xFFFFFF80  }
0x65: {  	[tilespmem:s29], [sflag:$0x3] =	stream.indirect.gather [hbm4b:s4+s21], $0x80, s22, s21, $0xb8;
	[tilespmem:$0x1BE00] =	vst v63  }
0x66: {  	p0 =	sne.s32 s5, $0x4C0;
	_ =	swait.ge [sflag:s26], $0x4000  }
.Ltmp2:
0x67: {  	[sflag:s26] =	ssyncset.done $0x0;
	(pc) =	sbr.rel @!p0 .LBB2_3-.Ltmp2, $4  }
0x68: {  	[sflag:s26] =	ssyncadd.s32 $0xFFFFC000  }
0x69: {  	_ =	swait.ge [sflag:s30], $0x4000  }
0x6a: {  	[sflag:s30] =	ssyncset.done $0x0  }
0x6b: {  	[sflag:s30] =	ssyncadd.s32 $0xFFFFC000  }
0x6c: {  	s6 =	sadd.s32 s5, s17  }
0x6d: {  	[tilespmem:s3], [sflag:$0x1] =	stream.linear.gather [hbm4b:s6+s3], $0x80, $0x38;
	[tilespmem:$0x1BE00] =	vst v63  }
0x6e: {  	s6 =	sadd.s32 s5, s16;
	s5 =	sadd.s32 $0x20, s5  }
0x6f: {  	p0 =	sne.s32 s5, $0x4E0  }
.Ltmp3:
0x70: {  	_ = 	snop;
	(pc) =	sbr.rel @p0 .LBB2_2-.Ltmp3, $4  }
.Ltmp4:
0x71: {  	_ = 	snop;
	(pc) =	sbr.rel @!p0 .LBB2_5-.Ltmp4, $4  }
0x72: {  	[tilespmem:s21], [sflag:$0x1] =	stream.linear.gather [hbm4b:s6+s3], $0x80, $0x38;
	[tilespmem:$0x1BE00] =	vst v63  }
0x73: {  	_ = 	snop  }
0x74: {  	[spmem:s2] =	stream.indirect.scatter.add.f32 [tilespmem:s29], [sflag:$0x5], $0x80, s23, s21, $0xb8;
	[tilespmem:$0x1BE00] =	vst v63  }
0x75: {  	_ = 	snop  }
.LBB2_6:
0x76: {  	_ =	sfence.sel $0x180000  }
0x77: {  	[bflag:$0x0] =	sbarrier.arrive $0xFFFF  }
0x78: {  	_ =	strace $0x90000050  }
0x79: {  	s0 =	stileid.u32;
	[bflag:$0x2] =	sbarrier.arrive $0xFFFF  }
0x7a: {  	p0 =	sne.s32 s0, $0x0;
	s0 =	rddreg [dreg:$0x4]  }
0x7b: {  	s0 =	sadd.s32 @!p0 $0x100000, s0  }
0x7c: {  	[sflag:s0] =	ssyncadd.tile.s32 @!p0 $0x1;
	_ =	shalt  }
.Lfunc_end2:
_tile_overlayer_lowered:
.L_overlay_start_2:
0x7d: {  	(tag) =	ssettag $0x2  }
0x7e: {  	s0 =	rddreg [dreg:$0x0];
	s2 =	stileid.u32  }
0x7f: {  	s1 =	rddreg [dreg:$0x1];
	p0 =	sne.s32 s2, $0x0  }
0x80: {  	s3 =	rddreg [dreg:$0x2];
	[bflag:$0x3] =	sbarrier.arrive $0xFFFF;
	s2 =	simm.s32 @!p0 $0x1C06  }
0x81: {  	[timem:s3], [sflag:s2] =	dma.local @!p0 [hbm:s0], s1  }
0x82: {  	s0 =	simm.s32 @!p0 $0x6  }
0x83: {  	_ =	swait.ge @!p0 [sflag:s0], s1  }
0x84: {  	s1 =	ssub.s32 @!p0 $0x0, s1;
	[sflag:s0] =	ssyncset.done @!p0 $0x0  }
0x85: {  	[sflag:s0] =	ssyncadd.s32 @!p0 s1  }
0x86: {  	[bflag:$0x3] =	sbarrier.arrive $0xFFFF  }
0x87: {  	_ =	shalt  }

</sc_bundles>
